<compile_context>
chip_gen: v7x
topology: tpu7x:2x2x1
jax: 0.10.2.dev20260603
libtpu: 0.0.44.dev20260713+nightly
codegen_flags: <defaults>
</compile_context>

<pallas_src>
import functools

import jax
import jax.numpy as jnp
from jax import lax
from jax.experimental import pallas as pl
from jax.experimental.pallas import tpu as pltpu
from jax.experimental.pallas import tpu_sc as plsc

N = 10000
E = 320000
H = 128
G = 64

NC = 2
NS = 16
NW = NC * NS
EPW = E // NW
EK = 125
EC = EPW // EK
ECH = EC // 2
RPS = 632
NACC = NS * RPS

_NEG = float(jnp.finfo(jnp.float32).min)


def _sc_scatter_body(hw_hbm, srcs_hbm, dsts_hbm, zeros_hbm, out_hbm,
                     src_v, dst_v, rows_v, accum, sem0, sem1):
  c = lax.axis_index("c")
  s = lax.axis_index("s")
  w = s * NC + c

  row0 = pl.multiple_of(s * RPS, 8)
  pltpu.sync_copy(zeros_hbm.at[pl.ds(row0, RPS)],
                  accum.at[pl.ds(row0, RPS)])
  plsc.subcore_barrier()

  sems = (sem0, sem1)

  for half in range(2):
    pltpu.sync_copy(srcs_hbm.at[w, pl.ds(half * ECH, ECH)], src_v)
    pltpu.sync_copy(dsts_hbm.at[w, pl.ds(half * ECH, ECH)], dst_v)

    pltpu.async_copy(hw_hbm.at[src_v.at[0]], rows_v.at[0], sem0)

    def outer(jj, carry):
      for b in range(2):
        j = jj * 2 + b

        @pl.when(j + 1 < ECH)
        def _():
          pltpu.async_copy(hw_hbm.at[src_v.at[j + 1]],
                           rows_v.at[(b + 1) % 2], sems[(b + 1) % 2])

        pltpu.make_async_copy(hw_hbm.at[src_v.at[j]], rows_v.at[b],
                              sems[b]).wait()
        pltpu.sync_copy(rows_v.at[b], accum.at[dst_v.at[j]], add=True)
      return carry

    lax.fori_loop(0, ECH // 2, outer, 0)

  plsc.subcore_barrier()
  pltpu.sync_copy(accum.at[pl.ds(row0, RPS)],
                  out_hbm.at[c, pl.ds(row0, RPS)])


def _make_sc_scatter():
  mesh = plsc.VectorSubcoreMesh(core_axis_name="c", subcore_axis_name="s")
  return pl.kernel(
      _sc_scatter_body,
      out_type=jax.ShapeDtypeStruct((NC, NACC, H), jnp.float32),
      mesh=mesh,
      scratch_types=[
          pltpu.VMEM((ECH, EK), jnp.int32),
          pltpu.VMEM((ECH, EK), jnp.int32),
          pltpu.VMEM((2, EK, H), jnp.float32),
          pltpu.VMEM_SHARED((NACC, H), jnp.float32),
          pltpu.SemaphoreType.DMA,
          pltpu.SemaphoreType.DMA,
      ],
      name="gcn_edge_scatter",
  )


R = 1000
NB = N // R


def _stage_a_body(x_ref, w1_ref, wres_ref, bres_ref, hw_ref, res_ref):
  xb = x_ref[...]
  hw_ref[...] = jnp.dot(xb, w1_ref[...], preferred_element_type=jnp.float32)
  res_ref[...] = jax.nn.relu(
      jnp.dot(xb, wres_ref[...], preferred_element_type=jnp.float32)
      + bres_ref[...])


def _stage_a(x, w1, wres, bres):
  return pl.pallas_call(
      _stage_a_body,
      grid=(NB,),
      in_specs=[
          pl.BlockSpec((R, H), lambda i: (i, 0)),
          pl.BlockSpec((H, H), lambda i: (0, 0)),
          pl.BlockSpec((H, H), lambda i: (0, 0)),
          pl.BlockSpec((1, H), lambda i: (0, 0)),
      ],
      out_specs=[
          pl.BlockSpec((R, H), lambda i: (i, 0)),
          pl.BlockSpec((R, H), lambda i: (i, 0)),
      ],
      out_shape=[
          jax.ShapeDtypeStruct((N, H), jnp.float32),
          jax.ShapeDtypeStruct((N, H), jnp.float32),
      ],
  )(x, w1, wres, bres)


def _stage_b_body(agg_ref, b_ref, res_ref, w2_ref, wres_ref, bres_ref,
                  hw2_ref, res2_ref):
  h = (jax.nn.relu(agg_ref[0] + agg_ref[1] + b_ref[...]) + res_ref[...])
  hw2_ref[...] = jnp.dot(h, w2_ref[...], preferred_element_type=jnp.float32)
  res2_ref[...] = jax.nn.relu(
      jnp.dot(h, wres_ref[...], preferred_element_type=jnp.float32)
      + bres_ref[...])


def _stage_b(agg, b, res, w2, wres, bres):
  return pl.pallas_call(
      _stage_b_body,
      grid=(NB,),
      in_specs=[
          pl.BlockSpec((NC, R, H), lambda i: (0, i, 0)),
          pl.BlockSpec((1, H), lambda i: (0, 0)),
          pl.BlockSpec((R, H), lambda i: (i, 0)),
          pl.BlockSpec((H, H), lambda i: (0, 0)),
          pl.BlockSpec((H, H), lambda i: (0, 0)),
          pl.BlockSpec((1, H), lambda i: (0, 0)),
      ],
      out_specs=[
          pl.BlockSpec((R, H), lambda i: (i, 0)),
          pl.BlockSpec((R, H), lambda i: (i, 0)),
      ],
      out_shape=[
          jax.ShapeDtypeStruct((N, H), jnp.float32),
          jax.ShapeDtypeStruct((N, H), jnp.float32),
      ],
  )(agg, b, res, w2, wres, bres)


def _stage_c_body(agg_ref, b_ref, res_ref, ids_row_ref, ids_col_ref,
                  watt_ref, batt_ref, wp1a_ref, wp1b_ref, bp1_ref, wp2_ref,
                  bp2_ref, out_ref, sum_ref, max_ref):
  i = pl.program_id(0)
  h = (jax.nn.relu(agg_ref[0] + agg_ref[1] + b_ref[...]) + res_ref[...])
  att = jax.nn.sigmoid(
      jnp.dot(h, watt_ref[...], preferred_element_type=jnp.float32)
      + batt_ref[...])
  weighted = h * att

  ids_row = ids_row_ref[0]
  onehot_t = (lax.broadcasted_iota(jnp.int32, (G, R), 0)
              == ids_row).astype(jnp.float32)
  part_sum = jnp.dot(onehot_t, weighted, preferred_element_type=jnp.float32)

  ids_col = ids_col_ref[0]
  vals = h
  k = 1
  while k < R:
    vals_sh = jnp.concatenate(
        [jnp.full((k, H), _NEG, jnp.float32), vals[:R - k]], axis=0)
    ids_sh = jnp.concatenate(
        [jnp.full((k, 1), -1, jnp.int32), ids_col[:R - k]], axis=0)
    vals = jnp.where(ids_sh == ids_col, jnp.maximum(vals, vals_sh), vals)
    k *= 2

  nxt = jnp.concatenate(
      [ids_row[:, 1:], jnp.full((1, 1), -1, jnp.int32)], axis=1)
  m_sel = onehot_t * (ids_row != nxt).astype(jnp.float32)
  pres = jnp.dot(m_sel, jnp.full((R, 1), 1.0, jnp.float32),
                 preferred_element_type=jnp.float32)
  part_max = (jnp.dot(m_sel, vals, preferred_element_type=jnp.float32)
              + (pres - 1.0) * 3.0e38)

  @pl.when(i == 0)
  def _():
    sum_ref[...] = jnp.zeros_like(sum_ref)
    max_ref[...] = jnp.full_like(max_ref, _NEG)

  sum_ref[...] += part_sum
  max_ref[...] = jnp.maximum(max_ref[...], part_max)

  @pl.when(i == NB - 1)
  def _():
    hid = jax.nn.relu(
        jnp.dot(sum_ref[...], wp1a_ref[...],
                preferred_element_type=jnp.float32)
        + jnp.dot(max_ref[...], wp1b_ref[...],
                  preferred_element_type=jnp.float32)
        + bp1_ref[...])
    out_ref[...] = (jnp.dot(hid, wp2_ref[...],
                            preferred_element_type=jnp.float32)
                    + bp2_ref[...])


def _stage_c(agg, b, res, ids_row, ids_col, watt, batt, wp1a, wp1b, bp1,
             wp2, bp2):
  nt = wp2.shape[1]
  return pl.pallas_call(
      _stage_c_body,
      grid=(NB,),
      in_specs=[
          pl.BlockSpec((NC, R, H), lambda i: (0, i, 0)),
          pl.BlockSpec((1, H), lambda i: (0, 0)),
          pl.BlockSpec((R, H), lambda i: (i, 0)),
          pl.BlockSpec((1, 1, R), lambda i: (i, 0, 0)),
          pl.BlockSpec((1, R, 1), lambda i: (i, 0, 0)),
          pl.BlockSpec((H, 1), lambda i: (0, 0)),
          pl.BlockSpec((1, 1), lambda i: (0, 0)),
          pl.BlockSpec((H, H), lambda i: (0, 0)),
          pl.BlockSpec((H, H), lambda i: (0, 0)),
          pl.BlockSpec((1, H), lambda i: (0, 0)),
          pl.BlockSpec((H, nt), lambda i: (0, 0)),
          pl.BlockSpec((1, nt), lambda i: (0, 0)),
      ],
      out_specs=pl.BlockSpec((G, nt), lambda i: (0, 0)),
      out_shape=jax.ShapeDtypeStruct((G, nt), jnp.float32),
      scratch_shapes=[
          pltpu.VMEM((G, H), jnp.float32),
          pltpu.VMEM((G, H), jnp.float32),
      ],
  )(agg, b, res, ids_row, ids_col, watt, batt, wp1a, wp1b, bp1, wp2, bp2)


@jax.jit
def kernel(x, edge_index, graph_ids, W1, b1, Wres1, bres1, W2, b2, Wres2,
           bres2, Watt, batt, Wp1, bp1, Wp2, bp2):
  srcs = edge_index[0].reshape(NW, EC, EK)
  dsts = edge_index[1].reshape(NW, EC, EK)
  zeros = jnp.zeros((NACC, H), jnp.float32)
  ids_row = graph_ids.reshape(NB, 1, R)
  ids_col = graph_ids.reshape(NB, R, 1)

  b1r = b1.reshape(1, H)
  bres1r = bres1.reshape(1, H)
  b2r = b2.reshape(1, H)
  bres2r = bres2.reshape(1, H)
  battr = batt.reshape(1, 1)
  bp1r = bp1.reshape(1, H)
  bp2r = bp2.reshape(1, Wp2.shape[1])
  wp1a = Wp1[:H]
  wp1b = Wp1[H:]

  sc_scatter = _make_sc_scatter()

  hw1, res1 = _stage_a(x, W1, Wres1, bres1r)
  agg1 = sc_scatter(hw1, srcs, dsts, zeros)
  hw2, res2 = _stage_b(agg1, b1r, res1, W2, Wres2, bres2r)
  agg2 = sc_scatter(hw2, srcs, dsts, zeros)
  return _stage_c(agg2, b2r, res2, ids_row, ids_col, Watt, battr,
                  wp1a, wp1b, bp1r, Wp2, bp2r)

# --- scband reference (transcript-rebuilt; emitter-appended) ---
"""Pipeline reference for scband-gcn-36859409334542 (READ-ONLY COPY).

The authoritative reference and input builder live on the scoring server;
editing this copy changes nothing except your own understanding.
"""

import jax, jax.numpy as jnp
import numpy as np

N = 10000
E = 320000
D = 128
H = 128
G = 64
PH = 128
NT = 1


def setup_inputs(seed: int = 0) -> dict:
    key = jax.random.key(seed)
    ks = jax.random.split(key, 20)
    x = jax.random.normal(ks[0], (N, D), dtype=jnp.float32)
    edge_index = jax.random.randint(ks[1], (2, E), 0, N, dtype=jnp.int32)
    graph_ids = jnp.sort(jax.random.randint(ks[2], (N,), 0, G, dtype=jnp.int32))
    s = 0.05
    params = {
        'W1': jax.random.normal(ks[3], (D, H), jnp.float32) * s,
        'b1': jnp.zeros((H,), jnp.float32),
        'Wres1': jax.random.normal(ks[4], (D, H), jnp.float32) * s,
        'bres1': jnp.zeros((H,), jnp.float32),
        'W2': jax.random.normal(ks[5], (H, H), jnp.float32) * s,
        'b2': jnp.zeros((H,), jnp.float32),
        'Wres2': jax.random.normal(ks[6], (H, H), jnp.float32) * s,
        'bres2': jnp.zeros((H,), jnp.float32),
        'Watt': jax.random.normal(ks[7], (H, 1), jnp.float32) * s,
        'batt': jnp.zeros((1,), jnp.float32),
        'Wp1': jax.random.normal(ks[8], (2 * H, PH), jnp.float32) * s,
        'bp1': jnp.zeros((PH,), jnp.float32),
        'Wp2': jax.random.normal(ks[9], (PH, NT), jnp.float32) * s,
        'bp2': jnp.zeros((NT,), jnp.float32),
    }
    return dict(x=x, edge_index=edge_index, graph_ids=graph_ids, **params)


def _gcn_layer(h_in, W, b, Wres, bres, src, dst):
    # dgl GraphConv with norm='none': sum-aggregate messages from in-neighbors
    hw = h_in @ W
    agg = jnp.zeros((h_in.shape[0], W.shape[1]), h_in.dtype).at[dst].add(hw[src])
    conv = jax.nn.relu(agg + b)
    # residual branch: activation(Linear(feats)) added to conv output
    res = jax.nn.relu(h_in @ Wres + bres)
    return conv + res


def reference(x, edge_index, graph_ids, W1, b1, Wres1, bres1, W2, b2, Wres2, bres2,
              Watt, batt, Wp1, bp1, Wp2, bp2):
    src = edge_index[0]
    dst = edge_index[1]
    h = _gcn_layer(x, W1, b1, Wres1, bres1, src, dst)
    h = _gcn_layer(h, W2, b2, Wres2, bres2, src, dst)
    # WeightedSumAndMax readout
    w = jax.nn.sigmoid(h @ Watt + batt)  # [N, 1]
    h_sum = jax.ops.segment_sum(h * w, graph_ids, num_segments=G)
    h_max = jax.ops.segment_max(h, graph_ids, num_segments=G)
    hg = jnp.concatenate([h_sum, h_max], axis=1)  # [G, 2H]
    # MLP predictor (batchnorm at eval with default running stats ~ identity)
    out = jax.nn.relu(hg @ Wp1 + bp1) @ Wp2 + bp2  # [G, n_tasks]
    return out

if __name__ == "__main__":
    import jax
    _d = setup_inputs()
    print(jax.jit(kernel)(*tuple(_d.values())))

</pallas_src>

<mosaic_0001>
#map = affine_map<(d0, d1) -> (0, 0)>
#map1 = affine_map<(d0, d1) -> (0, 0, 0)>
module attributes {stable_mosaic.version = 14 : i64} {
  func.func @gcn_edge_scatter(%arg0: i32, %arg1: i32, %arg2: memref<10000x128xf32, #tpu.memory_space<hbm>>, %arg3: memref<32x80x125xi32, #tpu.memory_space<hbm>>, %arg4: memref<32x80x125xi32, #tpu.memory_space<hbm>>, %arg5: memref<10112x128xf32, #tpu.memory_space<hbm>>, %arg6: memref<2x10112x128xf32, #tpu.memory_space<hbm>>, %arg7: memref<40x125xi32, #tpu.memory_space<vmem>>, %arg8: memref<40x125xi32, #tpu.memory_space<vmem>>, %arg9: memref<2x125x128xf32, #tpu.memory_space<vmem>>, %arg10: memref<10112x128xf32, #tpu.memory_space<vmem_shared>>, %arg11: memref<!tpu.dma_semaphore, #tpu.memory_space<semaphore_mem>>, %arg12: memref<!tpu.dma_semaphore, #tpu.memory_space<semaphore_mem>>) attributes {dimension_semantics = [#tpu.dimension_semantics<core_parallel>, #tpu.dimension_semantics<subcore_parallel>], iteration_bounds = array<i64: 2, 16>, scalar_prefetch = 0 : i64, scratch_operands = 6 : i64, tpu.core_type = #tpu.core_type<sc_vector_subcore>, window_params = [{transform_indices = #map}, {transform_indices = #map1}, {transform_indices = #map1}, {transform_indices = #map}, {transform_indices = #map1}]} {
    %mul3A = arith.constant 2 : i32
    %mul3A_0 = arith.muli %arg1, %mul3A : i32
    %add3A = arith.addi %mul3A_0, %arg0 : i32
    %mul3A_1 = arith.constant 632 : i32
    %mul3A_2 = arith.muli %arg1, %mul3A_1 : i32
    %multiple_of3A = tpu.assume_multiple %mul3A_2, 8 : i32
    "tpu.region"() ({
      %run_scoped3A = tpu.sem_alloc : memref<!tpu.dma_semaphore, #tpu.memory_space<semaphore_mem>>
      %dma_start3A_38 = arith.constant 0 : i32
      %dma_start3A_39 = tpu.memref_slice %arg10[%multiple_of3A, %dma_start3A_38] : memref<10112x128xf32, #tpu.memory_space<vmem_shared>> -> memref<632x128xf32, #tpu.memory_space<vmem_shared>>
      %dma_start3A_40 = arith.constant 0 : i32
      %dma_start3A_41 = tpu.memref_slice %arg5[%multiple_of3A, %dma_start3A_40] : memref<10112x128xf32, #tpu.memory_space<hbm>> -> memref<632x128xf32, #tpu.memory_space<hbm>>
      tpu.enqueue_dma source(%dma_start3A_41 : memref<632x128xf32, #tpu.memory_space<hbm>>) target(%dma_start3A_39 : memref<632x128xf32, #tpu.memory_space<vmem_shared>>) target_semaphore(%run_scoped3A : memref<!tpu.dma_semaphore, #tpu.memory_space<semaphore_mem>>)
      %dma_wait3A = arith.constant 0 : i32
      %dma_wait3A_42 = tpu.memref_slice %arg10[%multiple_of3A, %dma_wait3A] : memref<10112x128xf32, #tpu.memory_space<vmem_shared>> -> memref<632x128xf32, #tpu.memory_space<vmem_shared>>
      %dma_wait3A_43 = arith.constant 0 : i32
      %dma_wait3A_44 = tpu.memref_slice %arg5[%multiple_of3A, %dma_wait3A_43] : memref<10112x128xf32, #tpu.memory_space<hbm>> -> memref<632x128xf32, #tpu.memory_space<hbm>>
      tpu.wait_dma2 semaphore(%run_scoped3A : memref<!tpu.dma_semaphore, #tpu.memory_space<semaphore_mem>>) src(%dma_wait3A_44 : memref<632x128xf32, #tpu.memory_space<hbm>>) dst(%dma_wait3A_42 : memref<632x128xf32, #tpu.memory_space<vmem_shared>>)
      tpu.yield
    }) : () -> ()
    %barrier3A = arith.constant 0 : index
    tpu.barrier barrier_id(%barrier3A)
    "tpu.region"() ({
      %run_scoped3A = tpu.sem_alloc : memref<!tpu.dma_semaphore, #tpu.memory_space<semaphore_mem>>
      %dma_start3A_38 = arith.constant 0 : i32
      %dma_start3A_39 = arith.constant 0 : i32
      %dma_start3A_40 = tpu.memref_slice %arg3[%add3A, %dma_start3A_38, %dma_start3A_39] : memref<32x80x125xi32, #tpu.memory_space<hbm>> -> memref<1x40x125xi32, #tpu.memory_space<hbm>>
      %dma_start3A_41 = tpu.memref_squeeze %dma_start3A_40 : memref<1x40x125xi32, #tpu.memory_space<hbm>> -> memref<40x125xi32, #tpu.memory_space<hbm>>
      %dma_start3A_42 = arith.constant 0 : i32
      %dma_start3A_43 = arith.constant 0 : i32
      %dma_start3A_44 = tpu.memref_slice %arg3[%add3A, %dma_start3A_42, %dma_start3A_43] : memref<32x80x125xi32, #tpu.memory_space<hbm>> -> memref<1x40x125xi32, #tpu.memory_space<hbm>>
      %dma_start3A_45 = tpu.memref_squeeze %dma_start3A_44 : memref<1x40x125xi32, #tpu.memory_space<hbm>> -> memref<40x125xi32, #tpu.memory_space<hbm>>
      tpu.enqueue_dma source(%dma_start3A_45 : memref<40x125xi32, #tpu.memory_space<hbm>>) target(%arg7 : memref<40x125xi32, #tpu.memory_space<vmem>>) target_semaphore(%run_scoped3A : memref<!tpu.dma_semaphore, #tpu.memory_space<semaphore_mem>>)
      %dma_wait3A = arith.constant 0 : i32
      %dma_wait3A_46 = arith.constant 0 : i32
      %dma_wait3A_47 = tpu.memref_slice %arg3[%add3A, %dma_wait3A, %dma_wait3A_46] : memref<32x80x125xi32, #tpu.memory_space<hbm>> -> memref<1x40x125xi32, #tpu.memory_space<hbm>>
      %dma_wait3A_48 = tpu.memref_squeeze %dma_wait3A_47 : memref<1x40x125xi32, #tpu.memory_space<hbm>> -> memref<40x125xi32, #tpu.memory_space<hbm>>
      %dma_wait3A_49 = arith.constant 0 : i32
      %dma_wait3A_50 = arith.constant 0 : i32
      %dma_wait3A_51 = tpu.memref_slice %arg3[%add3A, %dma_wait3A_49, %dma_wait3A_50] : memref<32x80x125xi32, #tpu.memory_space<hbm>> -> memref<1x40x125xi32, #tpu.memory_space<hbm>>
      %dma_wait3A_52 = tpu.memref_squeeze %dma_wait3A_51 : memref<1x40x125xi32, #tpu.memory_space<hbm>> -> memref<40x125xi32, #tpu.memory_space<hbm>>
      tpu.wait_dma2 semaphore(%run_scoped3A : memref<!tpu.dma_semaphore, #tpu.memory_space<semaphore_mem>>) src(%dma_wait3A_52 : memref<40x125xi32, #tpu.memory_space<hbm>>) dst(%arg7 : memref<40x125xi32, #tpu.memory_space<vmem>>)
      tpu.yield
    }) : () -> ()
    "tpu.region"() ({
      %run_scoped3A = tpu.sem_alloc : memref<!tpu.dma_semaphore, #tpu.memory_space<semaphore_mem>>
      %dma_start3A_38 = arith.constant 0 : i32
      %dma_start3A_39 = arith.constant 0 : i32
      %dma_start3A_40 = tpu.memref_slice %arg4[%add3A, %dma_start3A_38, %dma_start3A_39] : memref<32x80x125xi32, #tpu.memory_space<hbm>> -> memref<1x40x125xi32, #tpu.memory_space<hbm>>
      %dma_start3A_41 = tpu.memref_squeeze %dma_start3A_40 : memref<1x40x125xi32, #tpu.memory_space<hbm>> -> memref<40x125xi32, #tpu.memory_space<hbm>>
      %dma_start3A_42 = arith.constant 0 : i32
      %dma_start3A_43 = arith.constant 0 : i32
      %dma_start3A_44 = tpu.memref_slice %arg4[%add3A, %dma_start3A_42, %dma_start3A_43] : memref<32x80x125xi32, #tpu.memory_space<hbm>> -> memref<1x40x125xi32, #tpu.memory_space<hbm>>
      %dma_start3A_45 = tpu.memref_squeeze %dma_start3A_44 : memref<1x40x125xi32, #tpu.memory_space<hbm>> -> memref<40x125xi32, #tpu.memory_space<hbm>>
      tpu.enqueue_dma source(%dma_start3A_45 : memref<40x125xi32, #tpu.memory_space<hbm>>) target(%arg8 : memref<40x125xi32, #tpu.memory_space<vmem>>) target_semaphore(%run_scoped3A : memref<!tpu.dma_semaphore, #tpu.memory_space<semaphore_mem>>)
      %dma_wait3A = arith.constant 0 : i32
      %dma_wait3A_46 = arith.constant 0 : i32
      %dma_wait3A_47 = tpu.memref_slice %arg4[%add3A, %dma_wait3A, %dma_wait3A_46] : memref<32x80x125xi32, #tpu.memory_space<hbm>> -> memref<1x40x125xi32, #tpu.memory_space<hbm>>
      %dma_wait3A_48 = tpu.memref_squeeze %dma_wait3A_47 : memref<1x40x125xi32, #tpu.memory_space<hbm>> -> memref<40x125xi32, #tpu.memory_space<hbm>>
      %dma_wait3A_49 = arith.constant 0 : i32
      %dma_wait3A_50 = arith.constant 0 : i32
      %dma_wait3A_51 = tpu.memref_slice %arg4[%add3A, %dma_wait3A_49, %dma_wait3A_50] : memref<32x80x125xi32, #tpu.memory_space<hbm>> -> memref<1x40x125xi32, #tpu.memory_space<hbm>>
      %dma_wait3A_52 = tpu.memref_squeeze %dma_wait3A_51 : memref<1x40x125xi32, #tpu.memory_space<hbm>> -> memref<40x125xi32, #tpu.memory_space<hbm>>
      tpu.wait_dma2 semaphore(%run_scoped3A : memref<!tpu.dma_semaphore, #tpu.memory_space<semaphore_mem>>) src(%dma_wait3A_52 : memref<40x125xi32, #tpu.memory_space<hbm>>) dst(%arg8 : memref<40x125xi32, #tpu.memory_space<vmem>>)
      tpu.yield
    }) : () -> ()
    %dma_start3A = arith.constant 0 : i32
    %dma_start3A_3 = arith.constant 0 : i32
    %dma_start3A_4 = arith.constant 0 : i32
    %dma_start3A_5 = arith.constant 0 : i32
    %dma_start3A_6 = tpu.memref_slice %arg9[%dma_start3A_3, %dma_start3A_4, %dma_start3A_5] : memref<2x125x128xf32, #tpu.memory_space<vmem>> -> memref<1x125x128xf32, #tpu.memory_space<vmem>>
    %dma_start3A_7 = tpu.memref_squeeze %dma_start3A_6 : memref<1x125x128xf32, #tpu.memory_space<vmem>> -> memref<125x128xf32, #tpu.memory_space<vmem>>
    %dma_start3A_8 = arith.constant 0 : i32
    %dma_start3A_9 = tpu.memref_slice %arg7[%dma_start3A, %dma_start3A_8] : memref<40x125xi32, #tpu.memory_space<vmem>> -> memref<1x125xi32, #tpu.memory_space<vmem>>
    %dma_start3A_10 = tpu.memref_squeeze %dma_start3A_9 : memref<1x125xi32, #tpu.memory_space<vmem>> -> memref<125xi32, #tpu.memory_space<vmem>>
    %dma_start3A_11 = arith.constant 0 : i32
    %dma_start3A_12 = arith.constant 0 : i32
    %dma_start3A_13 = tpu.memref_slice %arg2[%dma_start3A_11, %dma_start3A_12] : memref<10000x128xf32, #tpu.memory_space<hbm>> -> memref<10000x128xf32, #tpu.memory_space<hbm>>
    tpu.enqueue_indirect_dma source(%dma_start3A_13 : memref<10000x128xf32, #tpu.memory_space<hbm>>) target(%dma_start3A_7 : memref<125x128xf32, #tpu.memory_space<vmem>>) offsets(%dma_start3A_10 : memref<125xi32, #tpu.memory_space<vmem>>) semaphore(%arg11 : memref<!tpu.dma_semaphore, #tpu.memory_space<semaphore_mem>>)
    %scan3A = arith.constant 0 : i32
    %scan3A_14 = arith.constant 0 : i32
    %scan3A_15 = arith.constant 20 : i32
    %scan3A_16 = arith.addi %scan3A_14, %scan3A_15 : i32
    %scan3A_17 = arith.constant 1 : i32
    scf.for %scan3A_38 = %scan3A_14 to %scan3A_16 step %scan3A_17  : i32 {
      %mul3A_39 = arith.constant 2 : i32
      %mul3A_40 = arith.muli %scan3A_38, %mul3A_39 : i32
      %add3A_41 = arith.constant 0 : i32
      %add3A_42 = arith.addi %mul3A_40, %add3A_41 : i32
      %add3A_43 = arith.constant 1 : i32
      %add3A_44 = arith.addi %add3A_42, %add3A_43 : i32
      %lt3A = arith.constant 40 : i32
      %lt3A_45 = arith.cmpi slt, %add3A_44, %lt3A : i32
      %convert_element_type3A = arith.extui %lt3A_45 : i1 to i32
      %cond3A = arith.constant 0 : i32
      %cond3A_46 = arith.cmpi ne, %convert_element_type3A, %cond3A : i32
      scf.if %cond3A_46 {
        %add3A_80 = arith.constant 1 : i32
        %add3A_81 = arith.addi %add3A_42, %add3A_80 : i32
        %dma_start3A_82 = arith.constant 1 : i32
        %dma_start3A_83 = arith.constant 0 : i32
        %dma_start3A_84 = arith.constant 0 : i32
        %dma_start3A_85 = tpu.memref_slice %arg9[%dma_start3A_82, %dma_start3A_83, %dma_start3A_84] : memref<2x125x128xf32, #tpu.memory_space<vmem>> -> memref<1x125x128xf32, #tpu.memory_space<vmem>>
        %dma_start3A_86 = tpu.memref_squeeze %dma_start3A_85 : memref<1x125x128xf32, #tpu.memory_space<vmem>> -> memref<125x128xf32, #tpu.memory_space<vmem>>
        %dma_start3A_87 = arith.constant 0 : i32
        %dma_start3A_88 = tpu.memref_slice %arg7[%add3A_81, %dma_start3A_87] : memref<40x125xi32, #tpu.memory_space<vmem>> -> memref<1x125xi32, #tpu.memory_space<vmem>>
        %dma_start3A_89 = tpu.memref_squeeze %dma_start3A_88 : memref<1x125xi32, #tpu.memory_space<vmem>> -> memref<125xi32, #tpu.memory_space<vmem>>
        %dma_start3A_90 = arith.constant 0 : i32
        %dma_start3A_91 = arith.constant 0 : i32
        %dma_start3A_92 = tpu.memref_slice %arg2[%dma_start3A_90, %dma_start3A_91] : memref<10000x128xf32, #tpu.memory_space<hbm>> -> memref<10000x128xf32, #tpu.memory_space<hbm>>
        tpu.enqueue_indirect_dma source(%dma_start3A_92 : memref<10000x128xf32, #tpu.memory_space<hbm>>) target(%dma_start3A_86 : memref<125x128xf32, #tpu.memory_space<vmem>>) offsets(%dma_start3A_89 : memref<125xi32, #tpu.memory_space<vmem>>) semaphore(%arg12 : memref<!tpu.dma_semaphore, #tpu.memory_space<semaphore_mem>>)
      } else {
      }
      %dma_wait3A = arith.constant 0 : i32
      %dma_wait3A_47 = arith.constant 0 : i32
      %dma_wait3A_48 = arith.constant 0 : i32
      %dma_wait3A_49 = tpu.memref_slice %arg9[%dma_wait3A, %dma_wait3A_47, %dma_wait3A_48] : memref<2x125x128xf32, #tpu.memory_space<vmem>> -> memref<1x125x128xf32, #tpu.memory_space<vmem>>
      %dma_wait3A_50 = tpu.memref_squeeze %dma_wait3A_49 : memref<1x125x128xf32, #tpu.memory_space<vmem>> -> memref<125x128xf32, #tpu.memory_space<vmem>>
      %dma_wait3A_51 = arith.constant 0 : i32
      %dma_wait3A_52 = tpu.memref_slice %arg7[%add3A_42, %dma_wait3A_51] : memref<40x125xi32, #tpu.memory_space<vmem>> -> memref<1x125xi32, #tpu.memory_space<vmem>>
      %dma_wait3A_53 = tpu.memref_squeeze %dma_wait3A_52 : memref<1x125xi32, #tpu.memory_space<vmem>> -> memref<125xi32, #tpu.memory_space<vmem>>
      %dma_wait3A_54 = arith.constant 0 : i32
      %dma_wait3A_55 = arith.constant 0 : i32
      %dma_wait3A_56 = tpu.memref_slice %arg2[%dma_wait3A_54, %dma_wait3A_55] : memref<10000x128xf32, #tpu.memory_space<hbm>> -> memref<10000x128xf32, #tpu.memory_space<hbm>>
      tpu.wait_indirect_dma semaphore(%arg11 : memref<!tpu.dma_semaphore, #tpu.memory_space<semaphore_mem>>) src(%dma_wait3A_56 : memref<10000x128xf32, #tpu.memory_space<hbm>>) dst(%dma_wait3A_50 : memref<125x128xf32, #tpu.memory_space<vmem>>)
      %run_scoped3A = arith.constant 0 : i32
      "tpu.region"() ({
        %run_scoped3A_80 = tpu.sem_alloc : memref<!tpu.dma_semaphore, #tpu.memory_space<semaphore_mem>>
        %dma_start3A_81 = arith.constant 0 : i32
        %dma_start3A_82 = arith.constant 0 : i32
        %dma_start3A_83 = tpu.memref_slice %arg9[%run_scoped3A, %dma_start3A_81, %dma_start3A_82] : memref<2x125x128xf32, #tpu.memory_space<vmem>> -> memref<1x125x128xf32, #tpu.memory_space<vmem>>
        %dma_start3A_84 = tpu.memref_squeeze %dma_start3A_83 : memref<1x125x128xf32, #tpu.memory_space<vmem>> -> memref<125x128xf32, #tpu.memory_space<vmem>>
        %dma_start3A_85 = arith.constant 0 : i32
        %dma_start3A_86 = tpu.memref_slice %arg8[%add3A_42, %dma_start3A_85] : memref<40x125xi32, #tpu.memory_space<vmem>> -> memref<1x125xi32, #tpu.memory_space<vmem>>
        %dma_start3A_87 = tpu.memref_squeeze %dma_start3A_86 : memref<1x125xi32, #tpu.memory_space<vmem>> -> memref<125xi32, #tpu.memory_space<vmem>>
        %dma_start3A_88 = arith.constant 0 : i32
        %dma_start3A_89 = arith.constant 0 : i32
        %dma_start3A_90 = tpu.memref_slice %arg10[%dma_start3A_88, %dma_start3A_89] : memref<10112x128xf32, #tpu.memory_space<vmem_shared>> -> memref<10112x128xf32, #tpu.memory_space<vmem_shared>>
        tpu.enqueue_indirect_dma source(%dma_start3A_84 : memref<125x128xf32, #tpu.memory_space<vmem>>) target(%dma_start3A_90 : memref<10112x128xf32, #tpu.memory_space<vmem_shared>>) offsets(%dma_start3A_87 : memref<125xi32, #tpu.memory_space<vmem>>) semaphore(%run_scoped3A_80 : memref<!tpu.dma_semaphore, #tpu.memory_space<semaphore_mem>>) {add = true}
        %dma_wait3A_91 = arith.constant 0 : i32
        %dma_wait3A_92 = arith.constant 0 : i32
        %dma_wait3A_93 = tpu.memref_slice %arg9[%run_scoped3A, %dma_wait3A_91, %dma_wait3A_92] : memref<2x125x128xf32, #tpu.memory_space<vmem>> -> memref<1x125x128xf32, #tpu.memory_space<vmem>>
        %dma_wait3A_94 = tpu.memref_squeeze %dma_wait3A_93 : memref<1x125x128xf32, #tpu.memory_space<vmem>> -> memref<125x128xf32, #tpu.memory_space<vmem>>
        %dma_wait3A_95 = arith.constant 0 : i32
        %dma_wait3A_96 = tpu.memref_slice %arg8[%add3A_42, %dma_wait3A_95] : memref<40x125xi32, #tpu.memory_space<vmem>> -> memref<1x125xi32, #tpu.memory_space<vmem>>
        %dma_wait3A_97 = tpu.memref_squeeze %dma_wait3A_96 : memref<1x125xi32, #tpu.memory_space<vmem>> -> memref<125xi32, #tpu.memory_space<vmem>>
        %dma_wait3A_98 = arith.constant 0 : i32
        %dma_wait3A_99 = arith.constant 0 : i32
        %dma_wait3A_100 = tpu.memref_slice %arg10[%dma_wait3A_98, %dma_wait3A_99] : memref<10112x128xf32, #tpu.memory_space<vmem_shared>> -> memref<10112x128xf32, #tpu.memory_space<vmem_shared>>
        tpu.wait_indirect_dma semaphore(%run_scoped3A_80 : memref<!tpu.dma_semaphore, #tpu.memory_space<semaphore_mem>>) src(%dma_wait3A_94 : memref<125x128xf32, #tpu.memory_space<vmem>>) dst(%dma_wait3A_100 : memref<10112x128xf32, #tpu.memory_space<vmem_shared>>)
        tpu.yield
      }) : () -> ()
      %mul3A_57 = arith.constant 2 : i32
      %mul3A_58 = arith.muli %scan3A_38, %mul3A_57 : i32
      %add3A_59 = arith.constant 1 : i32
      %add3A_60 = arith.addi %mul3A_58, %add3A_59 : i32
      %add3A_61 = arith.constant 1 : i32
      %add3A_62 = arith.addi %add3A_60, %add3A_61 : i32
      %lt3A_63 = arith.constant 40 : i32
      %lt3A_64 = arith.cmpi slt, %add3A_62, %lt3A_63 : i32
      %convert_element_type3A_65 = arith.extui %lt3A_64 : i1 to i32
      %cond3A_66 = arith.constant 0 : i32
      %cond3A_67 = arith.cmpi ne, %convert_element_type3A_65, %cond3A_66 : i32
      scf.if %cond3A_67 {
        %add3A_80 = arith.constant 1 : i32
        %add3A_81 = arith.addi %add3A_60, %add3A_80 : i32
        %dma_start3A_82 = arith.constant 0 : i32
        %dma_start3A_83 = arith.constant 0 : i32
        %dma_start3A_84 = arith.constant 0 : i32
        %dma_start3A_85 = tpu.memref_slice %arg9[%dma_start3A_82, %dma_start3A_83, %dma_start3A_84] : memref<2x125x128xf32, #tpu.memory_space<vmem>> -> memref<1x125x128xf32, #tpu.memory_space<vmem>>
        %dma_start3A_86 = tpu.memref_squeeze %dma_start3A_85 : memref<1x125x128xf32, #tpu.memory_space<vmem>> -> memref<125x128xf32, #tpu.memory_space<vmem>>
        %dma_start3A_87 = arith.constant 0 : i32
        %dma_start3A_88 = tpu.memref_slice %arg7[%add3A_81, %dma_start3A_87] : memref<40x125xi32, #tpu.memory_space<vmem>> -> memref<1x125xi32, #tpu.memory_space<vmem>>
        %dma_start3A_89 = tpu.memref_squeeze %dma_start3A_88 : memref<1x125xi32, #tpu.memory_space<vmem>> -> memref<125xi32, #tpu.memory_space<vmem>>
        %dma_start3A_90 = arith.constant 0 : i32
        %dma_start3A_91 = arith.constant 0 : i32
        %dma_start3A_92 = tpu.memref_slice %arg2[%dma_start3A_90, %dma_start3A_91] : memref<10000x128xf32, #tpu.memory_space<hbm>> -> memref<10000x128xf32, #tpu.memory_space<hbm>>
        tpu.enqueue_indirect_dma source(%dma_start3A_92 : memref<10000x128xf32, #tpu.memory_space<hbm>>) target(%dma_start3A_86 : memref<125x128xf32, #tpu.memory_space<vmem>>) offsets(%dma_start3A_89 : memref<125xi32, #tpu.memory_space<vmem>>) semaphore(%arg11 : memref<!tpu.dma_semaphore, #tpu.memory_space<semaphore_mem>>)
      } else {
      }
      %dma_wait3A_68 = arith.constant 1 : i32
      %dma_wait3A_69 = arith.constant 0 : i32
      %dma_wait3A_70 = arith.constant 0 : i32
      %dma_wait3A_71 = tpu.memref_slice %arg9[%dma_wait3A_68, %dma_wait3A_69, %dma_wait3A_70] : memref<2x125x128xf32, #tpu.memory_space<vmem>> -> memref<1x125x128xf32, #tpu.memory_space<vmem>>
      %dma_wait3A_72 = tpu.memref_squeeze %dma_wait3A_71 : memref<1x125x128xf32, #tpu.memory_space<vmem>> -> memref<125x128xf32, #tpu.memory_space<vmem>>
      %dma_wait3A_73 = arith.constant 0 : i32
      %dma_wait3A_74 = tpu.memref_slice %arg7[%add3A_60, %dma_wait3A_73] : memref<40x125xi32, #tpu.memory_space<vmem>> -> memref<1x125xi32, #tpu.memory_space<vmem>>
      %dma_wait3A_75 = tpu.memref_squeeze %dma_wait3A_74 : memref<1x125xi32, #tpu.memory_space<vmem>> -> memref<125xi32, #tpu.memory_space<vmem>>
      %dma_wait3A_76 = arith.constant 0 : i32
      %dma_wait3A_77 = arith.constant 0 : i32
      %dma_wait3A_78 = tpu.memref_slice %arg2[%dma_wait3A_76, %dma_wait3A_77] : memref<10000x128xf32, #tpu.memory_space<hbm>> -> memref<10000x128xf32, #tpu.memory_space<hbm>>
      tpu.wait_indirect_dma semaphore(%arg12 : memref<!tpu.dma_semaphore, #tpu.memory_space<semaphore_mem>>) src(%dma_wait3A_78 : memref<10000x128xf32, #tpu.memory_space<hbm>>) dst(%dma_wait3A_72 : memref<125x128xf32, #tpu.memory_space<vmem>>)
      %run_scoped3A_79 = arith.constant 1 : i32
      "tpu.region"() ({
        %run_scoped3A_80 = tpu.sem_alloc : memref<!tpu.dma_semaphore, #tpu.memory_space<semaphore_mem>>
        %dma_start3A_81 = arith.constant 0 : i32
        %dma_start3A_82 = arith.constant 0 : i32
        %dma_start3A_83 = tpu.memref_slice %arg9[%run_scoped3A_79, %dma_start3A_81, %dma_start3A_82] : memref<2x125x128xf32, #tpu.memory_space<vmem>> -> memref<1x125x128xf32, #tpu.memory_space<vmem>>
        %dma_start3A_84 = tpu.memref_squeeze %dma_start3A_83 : memref<1x125x128xf32, #tpu.memory_space<vmem>> -> memref<125x128xf32, #tpu.memory_space<vmem>>
        %dma_start3A_85 = arith.constant 0 : i32
        %dma_start3A_86 = tpu.memref_slice %arg8[%add3A_60, %dma_start3A_85] : memref<40x125xi32, #tpu.memory_space<vmem>> -> memref<1x125xi32, #tpu.memory_space<vmem>>
        %dma_start3A_87 = tpu.memref_squeeze %dma_start3A_86 : memref<1x125xi32, #tpu.memory_space<vmem>> -> memref<125xi32, #tpu.memory_space<vmem>>
        %dma_start3A_88 = arith.constant 0 : i32
        %dma_start3A_89 = arith.constant 0 : i32
        %dma_start3A_90 = tpu.memref_slice %arg10[%dma_start3A_88, %dma_start3A_89] : memref<10112x128xf32, #tpu.memory_space<vmem_shared>> -> memref<10112x128xf32, #tpu.memory_space<vmem_shared>>
        tpu.enqueue_indirect_dma source(%dma_start3A_84 : memref<125x128xf32, #tpu.memory_space<vmem>>) target(%dma_start3A_90 : memref<10112x128xf32, #tpu.memory_space<vmem_shared>>) offsets(%dma_start3A_87 : memref<125xi32, #tpu.memory_space<vmem>>) semaphore(%run_scoped3A_80 : memref<!tpu.dma_semaphore, #tpu.memory_space<semaphore_mem>>) {add = true}
        %dma_wait3A_91 = arith.constant 0 : i32
        %dma_wait3A_92 = arith.constant 0 : i32
        %dma_wait3A_93 = tpu.memref_slice %arg9[%run_scoped3A_79, %dma_wait3A_91, %dma_wait3A_92] : memref<2x125x128xf32, #tpu.memory_space<vmem>> -> memref<1x125x128xf32, #tpu.memory_space<vmem>>
        %dma_wait3A_94 = tpu.memref_squeeze %dma_wait3A_93 : memref<1x125x128xf32, #tpu.memory_space<vmem>> -> memref<125x128xf32, #tpu.memory_space<vmem>>
        %dma_wait3A_95 = arith.constant 0 : i32
        %dma_wait3A_96 = tpu.memref_slice %arg8[%add3A_60, %dma_wait3A_95] : memref<40x125xi32, #tpu.memory_space<vmem>> -> memref<1x125xi32, #tpu.memory_space<vmem>>
        %dma_wait3A_97 = tpu.memref_squeeze %dma_wait3A_96 : memref<1x125xi32, #tpu.memory_space<vmem>> -> memref<125xi32, #tpu.memory_space<vmem>>
        %dma_wait3A_98 = arith.constant 0 : i32
        %dma_wait3A_99 = arith.constant 0 : i32
        %dma_wait3A_100 = tpu.memref_slice %arg10[%dma_wait3A_98, %dma_wait3A_99] : memref<10112x128xf32, #tpu.memory_space<vmem_shared>> -> memref<10112x128xf32, #tpu.memory_space<vmem_shared>>
        tpu.wait_indirect_dma semaphore(%run_scoped3A_80 : memref<!tpu.dma_semaphore, #tpu.memory_space<semaphore_mem>>) src(%dma_wait3A_94 : memref<125x128xf32, #tpu.memory_space<vmem>>) dst(%dma_wait3A_100 : memref<10112x128xf32, #tpu.memory_space<vmem_shared>>)
        tpu.yield
      }) : () -> ()
    }
    %scan3A_18 = arith.constant 20 : i32
    "tpu.region"() ({
      %run_scoped3A = tpu.sem_alloc : memref<!tpu.dma_semaphore, #tpu.memory_space<semaphore_mem>>
      %dma_start3A_38 = arith.constant 40 : i32
      %dma_start3A_39 = arith.constant 0 : i32
      %dma_start3A_40 = tpu.memref_slice %arg3[%add3A, %dma_start3A_38, %dma_start3A_39] : memref<32x80x125xi32, #tpu.memory_space<hbm>> -> memref<1x40x125xi32, #tpu.memory_space<hbm>>
      %dma_start3A_41 = tpu.memref_squeeze %dma_start3A_40 : memref<1x40x125xi32, #tpu.memory_space<hbm>> -> memref<40x125xi32, #tpu.memory_space<hbm>>
      %dma_start3A_42 = arith.constant 40 : i32
      %dma_start3A_43 = arith.constant 0 : i32
      %dma_start3A_44 = tpu.memref_slice %arg3[%add3A, %dma_start3A_42, %dma_start3A_43] : memref<32x80x125xi32, #tpu.memory_space<hbm>> -> memref<1x40x125xi32, #tpu.memory_space<hbm>>
      %dma_start3A_45 = tpu.memref_squeeze %dma_start3A_44 : memref<1x40x125xi32, #tpu.memory_space<hbm>> -> memref<40x125xi32, #tpu.memory_space<hbm>>
      tpu.enqueue_dma source(%dma_start3A_45 : memref<40x125xi32, #tpu.memory_space<hbm>>) target(%arg7 : memref<40x125xi32, #tpu.memory_space<vmem>>) target_semaphore(%run_scoped3A : memref<!tpu.dma_semaphore, #tpu.memory_space<semaphore_mem>>)
      %dma_wait3A = arith.constant 40 : i32
      %dma_wait3A_46 = arith.constant 0 : i32
      %dma_wait3A_47 = tpu.memref_slice %arg3[%add3A, %dma_wait3A, %dma_wait3A_46] : memref<32x80x125xi32, #tpu.memory_space<hbm>> -> memref<1x40x125xi32, #tpu.memory_space<hbm>>
      %dma_wait3A_48 = tpu.memref_squeeze %dma_wait3A_47 : memref<1x40x125xi32, #tpu.memory_space<hbm>> -> memref<40x125xi32, #tpu.memory_space<hbm>>
      %dma_wait3A_49 = arith.constant 40 : i32
      %dma_wait3A_50 = arith.constant 0 : i32
      %dma_wait3A_51 = tpu.memref_slice %arg3[%add3A, %dma_wait3A_49, %dma_wait3A_50] : memref<32x80x125xi32, #tpu.memory_space<hbm>> -> memref<1x40x125xi32, #tpu.memory_space<hbm>>
      %dma_wait3A_52 = tpu.memref_squeeze %dma_wait3A_51 : memref<1x40x125xi32, #tpu.memory_space<hbm>> -> memref<40x125xi32, #tpu.memory_space<hbm>>
      tpu.wait_dma2 semaphore(%run_scoped3A : memref<!tpu.dma_semaphore, #tpu.memory_space<semaphore_mem>>) src(%dma_wait3A_52 : memref<40x125xi32, #tpu.memory_space<hbm>>) dst(%arg7 : memref<40x125xi32, #tpu.memory_space<vmem>>)
      tpu.yield
    }) : () -> ()
    "tpu.region"() ({
      %run_scoped3A = tpu.sem_alloc : memref<!tpu.dma_semaphore, #tpu.memory_space<semaphore_mem>>
      %dma_start3A_38 = arith.constant 40 : i32
      %dma_start3A_39 = arith.constant 0 : i32
      %dma_start3A_40 = tpu.memref_slice %arg4[%add3A, %dma_start3A_38, %dma_start3A_39] : memref<32x80x125xi32, #tpu.memory_space<hbm>> -> memref<1x40x125xi32, #tpu.memory_space<hbm>>
      %dma_start3A_41 = tpu.memref_squeeze %dma_start3A_40 : memref<1x40x125xi32, #tpu.memory_space<hbm>> -> memref<40x125xi32, #tpu.memory_space<hbm>>
      %dma_start3A_42 = arith.constant 40 : i32
      %dma_start3A_43 = arith.constant 0 : i32
      %dma_start3A_44 = tpu.memref_slice %arg4[%add3A, %dma_start3A_42, %dma_start3A_43] : memref<32x80x125xi32, #tpu.memory_space<hbm>> -> memref<1x40x125xi32, #tpu.memory_space<hbm>>
      %dma_start3A_45 = tpu.memref_squeeze %dma_start3A_44 : memref<1x40x125xi32, #tpu.memory_space<hbm>> -> memref<40x125xi32, #tpu.memory_space<hbm>>
      tpu.enqueue_dma source(%dma_start3A_45 : memref<40x125xi32, #tpu.memory_space<hbm>>) target(%arg8 : memref<40x125xi32, #tpu.memory_space<vmem>>) target_semaphore(%run_scoped3A : memref<!tpu.dma_semaphore, #tpu.memory_space<semaphore_mem>>)
      %dma_wait3A = arith.constant 40 : i32
      %dma_wait3A_46 = arith.constant 0 : i32
      %dma_wait3A_47 = tpu.memref_slice %arg4[%add3A, %dma_wait3A, %dma_wait3A_46] : memref<32x80x125xi32, #tpu.memory_space<hbm>> -> memref<1x40x125xi32, #tpu.memory_space<hbm>>
      %dma_wait3A_48 = tpu.memref_squeeze %dma_wait3A_47 : memref<1x40x125xi32, #tpu.memory_space<hbm>> -> memref<40x125xi32, #tpu.memory_space<hbm>>
      %dma_wait3A_49 = arith.constant 40 : i32
      %dma_wait3A_50 = arith.constant 0 : i32
      %dma_wait3A_51 = tpu.memref_slice %arg4[%add3A, %dma_wait3A_49, %dma_wait3A_50] : memref<32x80x125xi32, #tpu.memory_space<hbm>> -> memref<1x40x125xi32, #tpu.memory_space<hbm>>
      %dma_wait3A_52 = tpu.memref_squeeze %dma_wait3A_51 : memref<1x40x125xi32, #tpu.memory_space<hbm>> -> memref<40x125xi32, #tpu.memory_space<hbm>>
      tpu.wait_dma2 semaphore(%run_scoped3A : memref<!tpu.dma_semaphore, #tpu.memory_space<semaphore_mem>>) src(%dma_wait3A_52 : memref<40x125xi32, #tpu.memory_space<hbm>>) dst(%arg8 : memref<40x125xi32, #tpu.memory_space<vmem>>)
      tpu.yield
    }) : () -> ()
    %dma_start3A_19 = arith.constant 0 : i32
    %dma_start3A_20 = arith.constant 0 : i32
    %dma_start3A_21 = arith.constant 0 : i32
    %dma_start3A_22 = arith.constant 0 : i32
    %dma_start3A_23 = tpu.memref_slice %arg9[%dma_start3A_20, %dma_start3A_21, %dma_start3A_22] : memref<2x125x128xf32, #tpu.memory_space<vmem>> -> memref<1x125x128xf32, #tpu.memory_space<vmem>>
    %dma_start3A_24 = tpu.memref_squeeze %dma_start3A_23 : memref<1x125x128xf32, #tpu.memory_space<vmem>> -> memref<125x128xf32, #tpu.memory_space<vmem>>
    %dma_start3A_25 = arith.constant 0 : i32
    %dma_start3A_26 = tpu.memref_slice %arg7[%dma_start3A_19, %dma_start3A_25] : memref<40x125xi32, #tpu.memory_space<vmem>> -> memref<1x125xi32, #tpu.memory_space<vmem>>
    %dma_start3A_27 = tpu.memref_squeeze %dma_start3A_26 : memref<1x125xi32, #tpu.memory_space<vmem>> -> memref<125xi32, #tpu.memory_space<vmem>>
    %dma_start3A_28 = arith.constant 0 : i32
    %dma_start3A_29 = arith.constant 0 : i32
    %dma_start3A_30 = tpu.memref_slice %arg2[%dma_start3A_28, %dma_start3A_29] : memref<10000x128xf32, #tpu.memory_space<hbm>> -> memref<10000x128xf32, #tpu.memory_space<hbm>>
    tpu.enqueue_indirect_dma source(%dma_start3A_30 : memref<10000x128xf32, #tpu.memory_space<hbm>>) target(%dma_start3A_24 : memref<125x128xf32, #tpu.memory_space<vmem>>) offsets(%dma_start3A_27 : memref<125xi32, #tpu.memory_space<vmem>>) semaphore(%arg11 : memref<!tpu.dma_semaphore, #tpu.memory_space<semaphore_mem>>)
    %scan3A_31 = arith.constant 0 : i32
    %scan3A_32 = arith.constant 0 : i32
    %scan3A_33 = arith.constant 20 : i32
    %scan3A_34 = arith.addi %scan3A_32, %scan3A_33 : i32
    %scan3A_35 = arith.constant 1 : i32
    scf.for %scan3A_38 = %scan3A_32 to %scan3A_34 step %scan3A_35  : i32 {
      %mul3A_39 = arith.constant 2 : i32
      %mul3A_40 = arith.muli %scan3A_38, %mul3A_39 : i32
      %add3A_41 = arith.constant 0 : i32
      %add3A_42 = arith.addi %mul3A_40, %add3A_41 : i32
      %add3A_43 = arith.constant 1 : i32
      %add3A_44 = arith.addi %add3A_42, %add3A_43 : i32
      %lt3A = arith.constant 40 : i32
      %lt3A_45 = arith.cmpi slt, %add3A_44, %lt3A : i32
      %convert_element_type3A = arith.extui %lt3A_45 : i1 to i32
      %cond3A = arith.constant 0 : i32
      %cond3A_46 = arith.cmpi ne, %convert_element_type3A, %cond3A : i32
      scf.if %cond3A_46 {
        %add3A_80 = arith.constant 1 : i32
        %add3A_81 = arith.addi %add3A_42, %add3A_80 : i32
        %dma_start3A_82 = arith.constant 1 : i32
        %dma_start3A_83 = arith.constant 0 : i32
        %dma_start3A_84 = arith.constant 0 : i32
        %dma_start3A_85 = tpu.memref_slice %arg9[%dma_start3A_82, %dma_start3A_83, %dma_start3A_84] : memref<2x125x128xf32, #tpu.memory_space<vmem>> -> memref<1x125x128xf32, #tpu.memory_space<vmem>>
        %dma_start3A_86 = tpu.memref_squeeze %dma_start3A_85 : memref<1x125x128xf32, #tpu.memory_space<vmem>> -> memref<125x128xf32, #tpu.memory_space<vmem>>
        %dma_start3A_87 = arith.constant 0 : i32
        %dma_start3A_88 = tpu.memref_slice %arg7[%add3A_81, %dma_start3A_87] : memref<40x125xi32, #tpu.memory_space<vmem>> -> memref<1x125xi32, #tpu.memory_space<vmem>>
        %dma_start3A_89 = tpu.memref_squeeze %dma_start3A_88 : memref<1x125xi32, #tpu.memory_space<vmem>> -> memref<125xi32, #tpu.memory_space<vmem>>
        %dma_start3A_90 = arith.constant 0 : i32
        %dma_start3A_91 = arith.constant 0 : i32
        %dma_start3A_92 = tpu.memref_slice %arg2[%dma_start3A_90, %dma_start3A_91] : memref<10000x128xf32, #tpu.memory_space<hbm>> -> memref<10000x128xf32, #tpu.memory_space<hbm>>
        tpu.enqueue_indirect_dma source(%dma_start3A_92 : memref<10000x128xf32, #tpu.memory_space<hbm>>) target(%dma_start3A_86 : memref<125x128xf32, #tpu.memory_space<vmem>>) offsets(%dma_start3A_89 : memref<125xi32, #tpu.memory_space<vmem>>) semaphore(%arg12 : memref<!tpu.dma_semaphore, #tpu.memory_space<semaphore_mem>>)
      } else {
      }
      %dma_wait3A = arith.constant 0 : i32
      %dma_wait3A_47 = arith.constant 0 : i32
      %dma_wait3A_48 = arith.constant 0 : i32
      %dma_wait3A_49 = tpu.memref_slice %arg9[%dma_wait3A, %dma_wait3A_47, %dma_wait3A_48] : memref<2x125x128xf32, #tpu.memory_space<vmem>> -> memref<1x125x128xf32, #tpu.memory_space<vmem>>
      %dma_wait3A_50 = tpu.memref_squeeze %dma_wait3A_49 : memref<1x125x128xf32, #tpu.memory_space<vmem>> -> memref<125x128xf32, #tpu.memory_space<vmem>>
      %dma_wait3A_51 = arith.constant 0 : i32
      %dma_wait3A_52 = tpu.memref_slice %arg7[%add3A_42, %dma_wait3A_51] : memref<40x125xi32, #tpu.memory_space<vmem>> -> memref<1x125xi32, #tpu.memory_space<vmem>>
      %dma_wait3A_53 = tpu.memref_squeeze %dma_wait3A_52 : memref<1x125xi32, #tpu.memory_space<vmem>> -> memref<125xi32, #tpu.memory_space<vmem>>
      %dma_wait3A_54 = arith.constant 0 : i32
      %dma_wait3A_55 = arith.constant 0 : i32
      %dma_wait3A_56 = tpu.memref_slice %arg2[%dma_wait3A_54, %dma_wait3A_55] : memref<10000x128xf32, #tpu.memory_space<hbm>> -> memref<10000x128xf32, #tpu.memory_space<hbm>>
      tpu.wait_indirect_dma semaphore(%arg11 : memref<!tpu.dma_semaphore, #tpu.memory_space<semaphore_mem>>) src(%dma_wait3A_56 : memref<10000x128xf32, #tpu.memory_space<hbm>>) dst(%dma_wait3A_50 : memref<125x128xf32, #tpu.memory_space<vmem>>)
      %run_scoped3A = arith.constant 0 : i32
      "tpu.region"() ({
        %run_scoped3A_80 = tpu.sem_alloc : memref<!tpu.dma_semaphore, #tpu.memory_space<semaphore_mem>>
        %dma_start3A_81 = arith.constant 0 : i32
        %dma_start3A_82 = arith.constant 0 : i32
        %dma_start3A_83 = tpu.memref_slice %arg9[%run_scoped3A, %dma_start3A_81, %dma_start3A_82] : memref<2x125x128xf32, #tpu.memory_space<vmem>> -> memref<1x125x128xf32, #tpu.memory_space<vmem>>
        %dma_start3A_84 = tpu.memref_squeeze %dma_start3A_83 : memref<1x125x128xf32, #tpu.memory_space<vmem>> -> memref<125x128xf32, #tpu.memory_space<vmem>>
        %dma_start3A_85 = arith.constant 0 : i32
        %dma_start3A_86 = tpu.memref_slice %arg8[%add3A_42, %dma_start3A_85] : memref<40x125xi32, #tpu.memory_space<vmem>> -> memref<1x125xi32, #tpu.memory_space<vmem>>
        %dma_start3A_87 = tpu.memref_squeeze %dma_start3A_86 : memref<1x125xi32, #tpu.memory_space<vmem>> -> memref<125xi32, #tpu.memory_space<vmem>>
        %dma_start3A_88 = arith.constant 0 : i32
        %dma_start3A_89 = arith.constant 0 : i32
        %dma_start3A_90 = tpu.memref_slice %arg10[%dma_start3A_88, %dma_start3A_89] : memref<10112x128xf32, #tpu.memory_space<vmem_shared>> -> memref<10112x128xf32, #tpu.memory_space<vmem_shared>>
        tpu.enqueue_indirect_dma source(%dma_start3A_84 : memref<125x128xf32, #tpu.memory_space<vmem>>) target(%dma_start3A_90 : memref<10112x128xf32, #tpu.memory_space<vmem_shared>>) offsets(%dma_start3A_87 : memref<125xi32, #tpu.memory_space<vmem>>) semaphore(%run_scoped3A_80 : memref<!tpu.dma_semaphore, #tpu.memory_space<semaphore_mem>>) {add = true}
        %dma_wait3A_91 = arith.constant 0 : i32
        %dma_wait3A_92 = arith.constant 0 : i32
        %dma_wait3A_93 = tpu.memref_slice %arg9[%run_scoped3A, %dma_wait3A_91, %dma_wait3A_92] : memref<2x125x128xf32, #tpu.memory_space<vmem>> -> memref<1x125x128xf32, #tpu.memory_space<vmem>>
        %dma_wait3A_94 = tpu.memref_squeeze %dma_wait3A_93 : memref<1x125x128xf32, #tpu.memory_space<vmem>> -> memref<125x128xf32, #tpu.memory_space<vmem>>
        %dma_wait3A_95 = arith.constant 0 : i32
        %dma_wait3A_96 = tpu.memref_slice %arg8[%add3A_42, %dma_wait3A_95] : memref<40x125xi32, #tpu.memory_space<vmem>> -> memref<1x125xi32, #tpu.memory_space<vmem>>
        %dma_wait3A_97 = tpu.memref_squeeze %dma_wait3A_96 : memref<1x125xi32, #tpu.memory_space<vmem>> -> memref<125xi32, #tpu.memory_space<vmem>>
        %dma_wait3A_98 = arith.constant 0 : i32
        %dma_wait3A_99 = arith.constant 0 : i32
        %dma_wait3A_100 = tpu.memref_slice %arg10[%dma_wait3A_98, %dma_wait3A_99] : memref<10112x128xf32, #tpu.memory_space<vmem_shared>> -> memref<10112x128xf32, #tpu.memory_space<vmem_shared>>
        tpu.wait_indirect_dma semaphore(%run_scoped3A_80 : memref<!tpu.dma_semaphore, #tpu.memory_space<semaphore_mem>>) src(%dma_wait3A_94 : memref<125x128xf32, #tpu.memory_space<vmem>>) dst(%dma_wait3A_100 : memref<10112x128xf32, #tpu.memory_space<vmem_shared>>)
        tpu.yield
      }) : () -> ()
      %mul3A_57 = arith.constant 2 : i32
      %mul3A_58 = arith.muli %scan3A_38, %mul3A_57 : i32
      %add3A_59 = arith.constant 1 : i32
      %add3A_60 = arith.addi %mul3A_58, %add3A_59 : i32
      %add3A_61 = arith.constant 1 : i32
      %add3A_62 = arith.addi %add3A_60, %add3A_61 : i32
      %lt3A_63 = arith.constant 40 : i32
      %lt3A_64 = arith.cmpi slt, %add3A_62, %lt3A_63 : i32
      %convert_element_type3A_65 = arith.extui %lt3A_64 : i1 to i32
      %cond3A_66 = arith.constant 0 : i32
      %cond3A_67 = arith.cmpi ne, %convert_element_type3A_65, %cond3A_66 : i32
      scf.if %cond3A_67 {
        %add3A_80 = arith.constant 1 : i32
        %add3A_81 = arith.addi %add3A_60, %add3A_80 : i32
        %dma_start3A_82 = arith.constant 0 : i32
        %dma_start3A_83 = arith.constant 0 : i32
        %dma_start3A_84 = arith.constant 0 : i32
        %dma_start3A_85 = tpu.memref_slice %arg9[%dma_start3A_82, %dma_start3A_83, %dma_start3A_84] : memref<2x125x128xf32, #tpu.memory_space<vmem>> -> memref<1x125x128xf32, #tpu.memory_space<vmem>>
        %dma_start3A_86 = tpu.memref_squeeze %dma_start3A_85 : memref<1x125x128xf32, #tpu.memory_space<vmem>> -> memref<125x128xf32, #tpu.memory_space<vmem>>
        %dma_start3A_87 = arith.constant 0 : i32
        %dma_start3A_88 = tpu.memref_slice %arg7[%add3A_81, %dma_start3A_87] : memref<40x125xi32, #tpu.memory_space<vmem>> -> memref<1x125xi32, #tpu.memory_space<vmem>>
        %dma_start3A_89 = tpu.memref_squeeze %dma_start3A_88 : memref<1x125xi32, #tpu.memory_space<vmem>> -> memref<125xi32, #tpu.memory_space<vmem>>
        %dma_start3A_90 = arith.constant 0 : i32
        %dma_start3A_91 = arith.constant 0 : i32
        %dma_start3A_92 = tpu.memref_slice %arg2[%dma_start3A_90, %dma_start3A_91] : memref<10000x128xf32, #tpu.memory_space<hbm>> -> memref<10000x128xf32, #tpu.memory_space<hbm>>
        tpu.enqueue_indirect_dma source(%dma_start3A_92 : memref<10000x128xf32, #tpu.memory_space<hbm>>) target(%dma_start3A_86 : memref<125x128xf32, #tpu.memory_space<vmem>>) offsets(%dma_start3A_89 : memref<125xi32, #tpu.memory_space<vmem>>) semaphore(%arg11 : memref<!tpu.dma_semaphore, #tpu.memory_space<semaphore_mem>>)
      } else {
      }
      %dma_wait3A_68 = arith.constant 1 : i32
      %dma_wait3A_69 = arith.constant 0 : i32
      %dma_wait3A_70 = arith.constant 0 : i32
      %dma_wait3A_71 = tpu.memref_slice %arg9[%dma_wait3A_68, %dma_wait3A_69, %dma_wait3A_70] : memref<2x125x128xf32, #tpu.memory_space<vmem>> -> memref<1x125x128xf32, #tpu.memory_space<vmem>>
      %dma_wait3A_72 = tpu.memref_squeeze %dma_wait3A_71 : memref<1x125x128xf32, #tpu.memory_space<vmem>> -> memref<125x128xf32, #tpu.memory_space<vmem>>
      %dma_wait3A_73 = arith.constant 0 : i32
      %dma_wait3A_74 = tpu.memref_slice %arg7[%add3A_60, %dma_wait3A_73] : memref<40x125xi32, #tpu.memory_space<vmem>> -> memref<1x125xi32, #tpu.memory_space<vmem>>
      %dma_wait3A_75 = tpu.memref_squeeze %dma_wait3A_74 : memref<1x125xi32, #tpu.memory_space<vmem>> -> memref<125xi32, #tpu.memory_space<vmem>>
      %dma_wait3A_76 = arith.constant 0 : i32
      %dma_wait3A_77 = arith.constant 0 : i32
      %dma_wait3A_78 = tpu.memref_slice %arg2[%dma_wait3A_76, %dma_wait3A_77] : memref<10000x128xf32, #tpu.memory_space<hbm>> -> memref<10000x128xf32, #tpu.memory_space<hbm>>
      tpu.wait_indirect_dma semaphore(%arg12 : memref<!tpu.dma_semaphore, #tpu.memory_space<semaphore_mem>>) src(%dma_wait3A_78 : memref<10000x128xf32, #tpu.memory_space<hbm>>) dst(%dma_wait3A_72 : memref<125x128xf32, #tpu.memory_space<vmem>>)
      %run_scoped3A_79 = arith.constant 1 : i32
      "tpu.region"() ({
        %run_scoped3A_80 = tpu.sem_alloc : memref<!tpu.dma_semaphore, #tpu.memory_space<semaphore_mem>>
        %dma_start3A_81 = arith.constant 0 : i32
        %dma_start3A_82 = arith.constant 0 : i32
        %dma_start3A_83 = tpu.memref_slice %arg9[%run_scoped3A_79, %dma_start3A_81, %dma_start3A_82] : memref<2x125x128xf32, #tpu.memory_space<vmem>> -> memref<1x125x128xf32, #tpu.memory_space<vmem>>
        %dma_start3A_84 = tpu.memref_squeeze %dma_start3A_83 : memref<1x125x128xf32, #tpu.memory_space<vmem>> -> memref<125x128xf32, #tpu.memory_space<vmem>>
        %dma_start3A_85 = arith.constant 0 : i32
        %dma_start3A_86 = tpu.memref_slice %arg8[%add3A_60, %dma_start3A_85] : memref<40x125xi32, #tpu.memory_space<vmem>> -> memref<1x125xi32, #tpu.memory_space<vmem>>
        %dma_start3A_87 = tpu.memref_squeeze %dma_start3A_86 : memref<1x125xi32, #tpu.memory_space<vmem>> -> memref<125xi32, #tpu.memory_space<vmem>>
        %dma_start3A_88 = arith.constant 0 : i32
        %dma_start3A_89 = arith.constant 0 : i32
        %dma_start3A_90 = tpu.memref_slice %arg10[%dma_start3A_88, %dma_start3A_89] : memref<10112x128xf32, #tpu.memory_space<vmem_shared>> -> memref<10112x128xf32, #tpu.memory_space<vmem_shared>>
        tpu.enqueue_indirect_dma source(%dma_start3A_84 : memref<125x128xf32, #tpu.memory_space<vmem>>) target(%dma_start3A_90 : memref<10112x128xf32, #tpu.memory_space<vmem_shared>>) offsets(%dma_start3A_87 : memref<125xi32, #tpu.memory_space<vmem>>) semaphore(%run_scoped3A_80 : memref<!tpu.dma_semaphore, #tpu.memory_space<semaphore_mem>>) {add = true}
        %dma_wait3A_91 = arith.constant 0 : i32
        %dma_wait3A_92 = arith.constant 0 : i32
        %dma_wait3A_93 = tpu.memref_slice %arg9[%run_scoped3A_79, %dma_wait3A_91, %dma_wait3A_92] : memref<2x125x128xf32, #tpu.memory_space<vmem>> -> memref<1x125x128xf32, #tpu.memory_space<vmem>>
        %dma_wait3A_94 = tpu.memref_squeeze %dma_wait3A_93 : memref<1x125x128xf32, #tpu.memory_space<vmem>> -> memref<125x128xf32, #tpu.memory_space<vmem>>
        %dma_wait3A_95 = arith.constant 0 : i32
        %dma_wait3A_96 = tpu.memref_slice %arg8[%add3A_60, %dma_wait3A_95] : memref<40x125xi32, #tpu.memory_space<vmem>> -> memref<1x125xi32, #tpu.memory_space<vmem>>
        %dma_wait3A_97 = tpu.memref_squeeze %dma_wait3A_96 : memref<1x125xi32, #tpu.memory_space<vmem>> -> memref<125xi32, #tpu.memory_space<vmem>>
        %dma_wait3A_98 = arith.constant 0 : i32
        %dma_wait3A_99 = arith.constant 0 : i32
        %dma_wait3A_100 = tpu.memref_slice %arg10[%dma_wait3A_98, %dma_wait3A_99] : memref<10112x128xf32, #tpu.memory_space<vmem_shared>> -> memref<10112x128xf32, #tpu.memory_space<vmem_shared>>
        tpu.wait_indirect_dma semaphore(%run_scoped3A_80 : memref<!tpu.dma_semaphore, #tpu.memory_space<semaphore_mem>>) src(%dma_wait3A_94 : memref<125x128xf32, #tpu.memory_space<vmem>>) dst(%dma_wait3A_100 : memref<10112x128xf32, #tpu.memory_space<vmem_shared>>)
        tpu.yield
      }) : () -> ()
    }
    %scan3A_36 = arith.constant 20 : i32
    %barrier3A_37 = arith.constant 0 : index
    tpu.barrier barrier_id(%barrier3A_37)
    "tpu.region"() ({
      %run_scoped3A = tpu.sem_alloc : memref<!tpu.dma_semaphore, #tpu.memory_space<semaphore_mem>>
      %dma_start3A_38 = arith.constant 0 : i32
      %dma_start3A_39 = tpu.memref_slice %arg6[%arg0, %multiple_of3A, %dma_start3A_38] : memref<2x10112x128xf32, #tpu.memory_space<hbm>> -> memref<1x632x128xf32, #tpu.memory_space<hbm>>
      %dma_start3A_40 = tpu.memref_squeeze %dma_start3A_39 : memref<1x632x128xf32, #tpu.memory_space<hbm>> -> memref<632x128xf32, #tpu.memory_space<hbm>>
      %dma_start3A_41 = arith.constant 0 : i32
      %dma_start3A_42 = tpu.memref_slice %arg10[%multiple_of3A, %dma_start3A_41] : memref<10112x128xf32, #tpu.memory_space<vmem_shared>> -> memref<632x128xf32, #tpu.memory_space<vmem_shared>>
      tpu.enqueue_dma source(%dma_start3A_42 : memref<632x128xf32, #tpu.memory_space<vmem_shared>>) target(%dma_start3A_40 : memref<632x128xf32, #tpu.memory_space<hbm>>) target_semaphore(%run_scoped3A : memref<!tpu.dma_semaphore, #tpu.memory_space<semaphore_mem>>)
      %dma_wait3A = arith.constant 0 : i32
      %dma_wait3A_43 = tpu.memref_slice %arg6[%arg0, %multiple_of3A, %dma_wait3A] : memref<2x10112x128xf32, #tpu.memory_space<hbm>> -> memref<1x632x128xf32, #tpu.memory_space<hbm>>
      %dma_wait3A_44 = tpu.memref_squeeze %dma_wait3A_43 : memref<1x632x128xf32, #tpu.memory_space<hbm>> -> memref<632x128xf32, #tpu.memory_space<hbm>>
      %dma_wait3A_45 = arith.constant 0 : i32
      %dma_wait3A_46 = tpu.memref_slice %arg10[%multiple_of3A, %dma_wait3A_45] : memref<10112x128xf32, #tpu.memory_space<vmem_shared>> -> memref<632x128xf32, #tpu.memory_space<vmem_shared>>
      tpu.wait_dma2 semaphore(%run_scoped3A : memref<!tpu.dma_semaphore, #tpu.memory_space<semaphore_mem>>) src(%dma_wait3A_46 : memref<632x128xf32, #tpu.memory_space<vmem_shared>>) dst(%dma_wait3A_44 : memref<632x128xf32, #tpu.memory_space<hbm>>)
      tpu.yield
    }) : () -> ()
    return
  }
}

#map = affine_map<(d0, d1) -> (0, 0)>
#map1 = affine_map<(d0, d1) -> (0, 0, 0)>
module attributes {stable_mosaic.version = 14 : i64} {
  func.func @gcn_edge_scatter(%arg0: i32, %arg1: i32, %arg2: memref<10000x128xf32, #tpu.memory_space<hbm>>, %arg3: memref<32x80x125xi32, #tpu.memory_space<hbm>>, %arg4: memref<32x80x125xi32, #tpu.memory_space<hbm>>, %arg5: memref<10112x128xf32, #tpu.memory_space<hbm>>, %arg6: memref<2x10112x128xf32, #tpu.memory_space<hbm>>, %arg7: memref<40x125xi32, #tpu.memory_space<vmem>>, %arg8: memref<40x125xi32, #tpu.memory_space<vmem>>, %arg9: memref<2x125x128xf32, #tpu.memory_space<vmem>>, %arg10: memref<10112x128xf32, #tpu.memory_space<vmem_shared>>, %arg11: memref<!tpu.dma_semaphore, #tpu.memory_space<semaphore_mem>>, %arg12: memref<!tpu.dma_semaphore, #tpu.memory_space<semaphore_mem>>) attributes {dimension_semantics = [#tpu.dimension_semantics<core_parallel>, #tpu.dimension_semantics<subcore_parallel>], iteration_bounds = array<i64: 2, 16>, scalar_prefetch = 0 : i64, scratch_operands = 6 : i64, tpu.core_type = #tpu.core_type<sc_vector_subcore>, window_params = [{transform_indices = #map}, {transform_indices = #map1}, {transform_indices = #map1}, {transform_indices = #map}, {transform_indices = #map1}]} {
    %mul3A = arith.constant 2 : i32
    %mul3A_0 = arith.muli %arg1, %mul3A : i32
    %add3A = arith.addi %mul3A_0, %arg0 : i32
    %mul3A_1 = arith.constant 632 : i32
    %mul3A_2 = arith.muli %arg1, %mul3A_1 : i32
    %multiple_of3A = tpu.assume_multiple %mul3A_2, 8 : i32
    "tpu.region"() ({
      %run_scoped3A = tpu.sem_alloc : memref<!tpu.dma_semaphore, #tpu.memory_space<semaphore_mem>>
      %dma_start3A_38 = arith.constant 0 : i32
      %dma_start3A_39 = tpu.memref_slice %arg10[%multiple_of3A, %dma_start3A_38] : memref<10112x128xf32, #tpu.memory_space<vmem_shared>> -> memref<632x128xf32, #tpu.memory_space<vmem_shared>>
      %dma_start3A_40 = arith.constant 0 : i32
      %dma_start3A_41 = tpu.memref_slice %arg5[%multiple_of3A, %dma_start3A_40] : memref<10112x128xf32, #tpu.memory_space<hbm>> -> memref<632x128xf32, #tpu.memory_space<hbm>>
      tpu.enqueue_dma source(%dma_start3A_41 : memref<632x128xf32, #tpu.memory_space<hbm>>) target(%dma_start3A_39 : memref<632x128xf32, #tpu.memory_space<vmem_shared>>) target_semaphore(%run_scoped3A : memref<!tpu.dma_semaphore, #tpu.memory_space<semaphore_mem>>)
      %dma_wait3A = arith.constant 0 : i32
      %dma_wait3A_42 = tpu.memref_slice %arg10[%multiple_of3A, %dma_wait3A] : memref<10112x128xf32, #tpu.memory_space<vmem_shared>> -> memref<632x128xf32, #tpu.memory_space<vmem_shared>>
      %dma_wait3A_43 = arith.constant 0 : i32
      %dma_wait3A_44 = tpu.memref_slice %arg5[%multiple_of3A, %dma_wait3A_43] : memref<10112x128xf32, #tpu.memory_space<hbm>> -> memref<632x128xf32, #tpu.memory_space<hbm>>
      tpu.wait_dma2 semaphore(%run_scoped3A : memref<!tpu.dma_semaphore, #tpu.memory_space<semaphore_mem>>) src(%dma_wait3A_44 : memref<632x128xf32, #tpu.memory_space<hbm>>) dst(%dma_wait3A_42 : memref<632x128xf32, #tpu.memory_space<vmem_shared>>)
      tpu.yield
    }) : () -> ()
    %barrier3A = arith.constant 0 : index
    tpu.barrier barrier_id(%barrier3A)
    "tpu.region"() ({
      %run_scoped3A = tpu.sem_alloc : memref<!tpu.dma_semaphore, #tpu.memory_space<semaphore_mem>>
      %dma_start3A_38 = arith.constant 0 : i32
      %dma_start3A_39 = arith.constant 0 : i32
      %dma_start3A_40 = tpu.memref_slice %arg3[%add3A, %dma_start3A_38, %dma_start3A_39] : memref<32x80x125xi32, #tpu.memory_space<hbm>> -> memref<1x40x125xi32, #tpu.memory_space<hbm>>
      %dma_start3A_41 = tpu.memref_squeeze %dma_start3A_40 : memref<1x40x125xi32, #tpu.memory_space<hbm>> -> memref<40x125xi32, #tpu.memory_space<hbm>>
      %dma_start3A_42 = arith.constant 0 : i32
      %dma_start3A_43 = arith.constant 0 : i32
      %dma_start3A_44 = tpu.memref_slice %arg3[%add3A, %dma_start3A_42, %dma_start3A_43] : memref<32x80x125xi32, #tpu.memory_space<hbm>> -> memref<1x40x125xi32, #tpu.memory_space<hbm>>
      %dma_start3A_45 = tpu.memref_squeeze %dma_start3A_44 : memref<1x40x125xi32, #tpu.memory_space<hbm>> -> memref<40x125xi32, #tpu.memory_space<hbm>>
      tpu.enqueue_dma source(%dma_start3A_45 : memref<40x125xi32, #tpu.memory_space<hbm>>) target(%arg7 : memref<40x125xi32, #tpu.memory_space<vmem>>) target_semaphore(%run_scoped3A : memref<!tpu.dma_semaphore, #tpu.memory_space<semaphore_mem>>)
      %dma_wait3A = arith.constant 0 : i32
      %dma_wait3A_46 = arith.constant 0 : i32
      %dma_wait3A_47 = tpu.memref_slice %arg3[%add3A, %dma_wait3A, %dma_wait3A_46] : memref<32x80x125xi32, #tpu.memory_space<hbm>> -> memref<1x40x125xi32, #tpu.memory_space<hbm>>
      %dma_wait3A_48 = tpu.memref_squeeze %dma_wait3A_47 : memref<1x40x125xi32, #tpu.memory_space<hbm>> -> memref<40x125xi32, #tpu.memory_space<hbm>>
      %dma_wait3A_49 = arith.constant 0 : i32
      %dma_wait3A_50 = arith.constant 0 : i32
      %dma_wait3A_51 = tpu.memref_slice %arg3[%add3A, %dma_wait3A_49, %dma_wait3A_50] : memref<32x80x125xi32, #tpu.memory_space<hbm>> -> memref<1x40x125xi32, #tpu.memory_space<hbm>>
      %dma_wait3A_52 = tpu.memref_squeeze %dma_wait3A_51 : memref<1x40x125xi32, #tpu.memory_space<hbm>> -> memref<40x125xi32, #tpu.memory_space<hbm>>
      tpu.wait_dma2 semaphore(%run_scoped3A : memref<!tpu.dma_semaphore, #tpu.memory_space<semaphore_mem>>) src(%dma_wait3A_52 : memref<40x125xi32, #tpu.memory_space<hbm>>) dst(%arg7 : memref<40x125xi32, #tpu.memory_space<vmem>>)
      tpu.yield
    }) : () -> ()
    "tpu.region"() ({
      %run_scoped3A = tpu.sem_alloc : memref<!tpu.dma_semaphore, #tpu.memory_space<semaphore_mem>>
      %dma_start3A_38 = arith.constant 0 : i32
      %dma_start3A_39 = arith.constant 0 : i32
      %dma_start3A_40 = tpu.memref_slice %arg4[%add3A, %dma_start3A_38, %dma_start3A_39] : memref<32x80x125xi32, #tpu.memory_space<hbm>> -> memref<1x40x125xi32, #tpu.memory_space<hbm>>
      %dma_start3A_41 = tpu.memref_squeeze %dma_start3A_40 : memref<1x40x125xi32, #tpu.memory_space<hbm>> -> memref<40x125xi32, #tpu.memory_space<hbm>>
      %dma_start3A_42 = arith.constant 0 : i32
      %dma_start3A_43 = arith.constant 0 : i32
      %dma_start3A_44 = tpu.memref_slice %arg4[%add3A, %dma_start3A_42, %dma_start3A_43] : memref<32x80x125xi32, #tpu.memory_space<hbm>> -> memref<1x40x125xi32, #tpu.memory_space<hbm>>
      %dma_start3A_45 = tpu.memref_squeeze %dma_start3A_44 : memref<1x40x125xi32, #tpu.memory_space<hbm>> -> memref<40x125xi32, #tpu.memory_space<hbm>>
      tpu.enqueue_dma source(%dma_start3A_45 : memref<40x125xi32, #tpu.memory_space<hbm>>) target(%arg8 : memref<40x125xi32, #tpu.memory_space<vmem>>) target_semaphore(%run_scoped3A : memref<!tpu.dma_semaphore, #tpu.memory_space<semaphore_mem>>)
      %dma_wait3A = arith.constant 0 : i32
      %dma_wait3A_46 = arith.constant 0 : i32
      %dma_wait3A_47 = tpu.memref_slice %arg4[%add3A, %dma_wait3A, %dma_wait3A_46] : memref<32x80x125xi32, #tpu.memory_space<hbm>> -> memref<1x40x125xi32, #tpu.memory_space<hbm>>
      %dma_wait3A_48 = tpu.memref_squeeze %dma_wait3A_47 : memref<1x40x125xi32, #tpu.memory_space<hbm>> -> memref<40x125xi32, #tpu.memory_space<hbm>>
      %dma_wait3A_49 = arith.constant 0 : i32
      %dma_wait3A_50 = arith.constant 0 : i32
      %dma_wait3A_51 = tpu.memref_slice %arg4[%add3A, %dma_wait3A_49, %dma_wait3A_50] : memref<32x80x125xi32, #tpu.memory_space<hbm>> -> memref<1x40x125xi32, #tpu.memory_space<hbm>>
      %dma_wait3A_52 = tpu.memref_squeeze %dma_wait3A_51 : memref<1x40x125xi32, #tpu.memory_space<hbm>> -> memref<40x125xi32, #tpu.memory_space<hbm>>
      tpu.wait_dma2 semaphore(%run_scoped3A : memref<!tpu.dma_semaphore, #tpu.memory_space<semaphore_mem>>) src(%dma_wait3A_52 : memref<40x125xi32, #tpu.memory_space<hbm>>) dst(%arg8 : memref<40x125xi32, #tpu.memory_space<vmem>>)
      tpu.yield
    }) : () -> ()
    %dma_start3A = arith.constant 0 : i32
    %dma_start3A_3 = arith.constant 0 : i32
    %dma_start3A_4 = arith.constant 0 : i32
    %dma_start3A_5 = arith.constant 0 : i32
    %dma_start3A_6 = tpu.memref_slice %arg9[%dma_start3A_3, %dma_start3A_4, %dma_start3A_5] : memref<2x125x128xf32, #tpu.memory_space<vmem>> -> memref<1x125x128xf32, #tpu.memory_space<vmem>>
    %dma_start3A_7 = tpu.memref_squeeze %dma_start3A_6 : memref<1x125x128xf32, #tpu.memory_space<vmem>> -> memref<125x128xf32, #tpu.memory_space<vmem>>
    %dma_start3A_8 = arith.constant 0 : i32
    %dma_start3A_9 = tpu.memref_slice %arg7[%dma_start3A, %dma_start3A_8] : memref<40x125xi32, #tpu.memory_space<vmem>> -> memref<1x125xi32, #tpu.memory_space<vmem>>
    %dma_start3A_10 = tpu.memref_squeeze %dma_start3A_9 : memref<1x125xi32, #tpu.memory_space<vmem>> -> memref<125xi32, #tpu.memory_space<vmem>>
    %dma_start3A_11 = arith.constant 0 : i32
    %dma_start3A_12 = arith.constant 0 : i32
    %dma_start3A_13 = tpu.memref_slice %arg2[%dma_start3A_11, %dma_start3A_12] : memref<10000x128xf32, #tpu.memory_space<hbm>> -> memref<10000x128xf32, #tpu.memory_space<hbm>>
    tpu.enqueue_indirect_dma source(%dma_start3A_13 : memref<10000x128xf32, #tpu.memory_space<hbm>>) target(%dma_start3A_7 : memref<125x128xf32, #tpu.memory_space<vmem>>) offsets(%dma_start3A_10 : memref<125xi32, #tpu.memory_space<vmem>>) semaphore(%arg11 : memref<!tpu.dma_semaphore, #tpu.memory_space<semaphore_mem>>)
    %scan3A = arith.constant 0 : i32
    %scan3A_14 = arith.constant 0 : i32
    %scan3A_15 = arith.constant 20 : i32
    %scan3A_16 = arith.addi %scan3A_14, %scan3A_15 : i32
    %scan3A_17 = arith.constant 1 : i32
    scf.for %scan3A_38 = %scan3A_14 to %scan3A_16 step %scan3A_17  : i32 {
      %mul3A_39 = arith.constant 2 : i32
      %mul3A_40 = arith.muli %scan3A_38, %mul3A_39 : i32
      %add3A_41 = arith.constant 0 : i32
      %add3A_42 = arith.addi %mul3A_40, %add3A_41 : i32
      %add3A_43 = arith.constant 1 : i32
      %add3A_44 = arith.addi %add3A_42, %add3A_43 : i32
      %lt3A = arith.constant 40 : i32
      %lt3A_45 = arith.cmpi slt, %add3A_44, %lt3A : i32
      %convert_element_type3A = arith.extui %lt3A_45 : i1 to i32
      %cond3A = arith.constant 0 : i32
      %cond3A_46 = arith.cmpi ne, %convert_element_type3A, %cond3A : i32
      scf.if %cond3A_46 {
        %add3A_80 = arith.constant 1 : i32
        %add3A_81 = arith.addi %add3A_42, %add3A_80 : i32
        %dma_start3A_82 = arith.constant 1 : i32
        %dma_start3A_83 = arith.constant 0 : i32
        %dma_start3A_84 = arith.constant 0 : i32
        %dma_start3A_85 = tpu.memref_slice %arg9[%dma_start3A_82, %dma_start3A_83, %dma_start3A_84] : memref<2x125x128xf32, #tpu.memory_space<vmem>> -> memref<1x125x128xf32, #tpu.memory_space<vmem>>
        %dma_start3A_86 = tpu.memref_squeeze %dma_start3A_85 : memref<1x125x128xf32, #tpu.memory_space<vmem>> -> memref<125x128xf32, #tpu.memory_space<vmem>>
        %dma_start3A_87 = arith.constant 0 : i32
        %dma_start3A_88 = tpu.memref_slice %arg7[%add3A_81, %dma_start3A_87] : memref<40x125xi32, #tpu.memory_space<vmem>> -> memref<1x125xi32, #tpu.memory_space<vmem>>
        %dma_start3A_89 = tpu.memref_squeeze %dma_start3A_88 : memref<1x125xi32, #tpu.memory_space<vmem>> -> memref<125xi32, #tpu.memory_space<vmem>>
        %dma_start3A_90 = arith.constant 0 : i32
        %dma_start3A_91 = arith.constant 0 : i32
        %dma_start3A_92 = tpu.memref_slice %arg2[%dma_start3A_90, %dma_start3A_91] : memref<10000x128xf32, #tpu.memory_space<hbm>> -> memref<10000x128xf32, #tpu.memory_space<hbm>>
        tpu.enqueue_indirect_dma source(%dma_start3A_92 : memref<10000x128xf32, #tpu.memory_space<hbm>>) target(%dma_start3A_86 : memref<125x128xf32, #tpu.memory_space<vmem>>) offsets(%dma_start3A_89 : memref<125xi32, #tpu.memory_space<vmem>>) semaphore(%arg12 : memref<!tpu.dma_semaphore, #tpu.memory_space<semaphore_mem>>)
      } else {
      }
      %dma_wait3A = arith.constant 0 : i32
      %dma_wait3A_47 = arith.constant 0 : i32
      %dma_wait3A_48 = arith.constant 0 : i32
      %dma_wait3A_49 = tpu.memref_slice %arg9[%dma_wait3A, %dma_wait3A_47, %dma_wait3A_48] : memref<2x125x128xf32, #tpu.memory_space<vmem>> -> memref<1x125x128xf32, #tpu.memory_space<vmem>>
      %dma_wait3A_50 = tpu.memref_squeeze %dma_wait3A_49 : memref<1x125x128xf32, #tpu.memory_space<vmem>> -> memref<125x128xf32, #tpu.memory_space<vmem>>
      %dma_wait3A_51 = arith.constant 0 : i32
      %dma_wait3A_52 = tpu.memref_slice %arg7[%add3A_42, %dma_wait3A_51] : memref<40x125xi32, #tpu.memory_space<vmem>> -> memref<1x125xi32, #tpu.memory_space<vmem>>
      %dma_wait3A_53 = tpu.memref_squeeze %dma_wait3A_52 : memref<1x125xi32, #tpu.memory_space<vmem>> -> memref<125xi32, #tpu.memory_space<vmem>>
      %dma_wait3A_54 = arith.constant 0 : i32
      %dma_wait3A_55 = arith.constant 0 : i32
      %dma_wait3A_56 = tpu.memref_slice %arg2[%dma_wait3A_54, %dma_wait3A_55] : memref<10000x128xf32, #tpu.memory_space<hbm>> -> memref<10000x128xf32, #tpu.memory_space<hbm>>
      tpu.wait_indirect_dma semaphore(%arg11 : memref<!tpu.dma_semaphore, #tpu.memory_space<semaphore_mem>>) src(%dma_wait3A_56 : memref<10000x128xf32, #tpu.memory_space<hbm>>) dst(%dma_wait3A_50 : memref<125x128xf32, #tpu.memory_space<vmem>>)
      %run_scoped3A = arith.constant 0 : i32
      "tpu.region"() ({
        %run_scoped3A_80 = tpu.sem_alloc : memref<!tpu.dma_semaphore, #tpu.memory_space<semaphore_mem>>
        %dma_start3A_81 = arith.constant 0 : i32
        %dma_start3A_82 = arith.constant 0 : i32
        %dma_start3A_83 = tpu.memref_slice %arg9[%run_scoped3A, %dma_start3A_81, %dma_start3A_82] : memref<2x125x128xf32, #tpu.memory_space<vmem>> -> memref<1x125x128xf32, #tpu.memory_space<vmem>>
        %dma_start3A_84 = tpu.memref_squeeze %dma_start3A_83 : memref<1x125x128xf32, #tpu.memory_space<vmem>> -> memref<125x128xf32, #tpu.memory_space<vmem>>
        %dma_start3A_85 = arith.constant 0 : i32
        %dma_start3A_86 = tpu.memref_slice %arg8[%add3A_42, %dma_start3A_85] : memref<40x125xi32, #tpu.memory_space<vmem>> -> memref<1x125xi32, #tpu.memory_space<vmem>>
        %dma_start3A_87 = tpu.memref_squeeze %dma_start3A_86 : memref<1x125xi32, #tpu.memory_space<vmem>> -> memref<125xi32, #tpu.memory_space<vmem>>
        %dma_start3A_88 = arith.constant 0 : i32
        %dma_start3A_89 = arith.constant 0 : i32
        %dma_start3A_90 = tpu.memref_slice %arg10[%dma_start3A_88, %dma_start3A_89] : memref<10112x128xf32, #tpu.memory_space<vmem_shared>> -> memref<10112x128xf32, #tpu.memory_space<vmem_shared>>
        tpu.enqueue_indirect_dma source(%dma_start3A_84 : memref<125x128xf32, #tpu.memory_space<vmem>>) target(%dma_start3A_90 : memref<10112x128xf32, #tpu.memory_space<vmem_shared>>) offsets(%dma_start3A_87 : memref<125xi32, #tpu.memory_space<vmem>>) semaphore(%run_scoped3A_80 : memref<!tpu.dma_semaphore, #tpu.memory_space<semaphore_mem>>) {add = true}
        %dma_wait3A_91 = arith.constant 0 : i32
        %dma_wait3A_92 = arith.constant 0 : i32
        %dma_wait3A_93 = tpu.memref_slice %arg9[%run_scoped3A, %dma_wait3A_91, %dma_wait3A_92] : memref<2x125x128xf32, #tpu.memory_space<vmem>> -> memref<1x125x128xf32, #tpu.memory_space<vmem>>
        %dma_wait3A_94 = tpu.memref_squeeze %dma_wait3A_93 : memref<1x125x128xf32, #tpu.memory_space<vmem>> -> memref<125x128xf32, #tpu.memory_space<vmem>>
        %dma_wait3A_95 = arith.constant 0 : i32
        %dma_wait3A_96 = tpu.memref_slice %arg8[%add3A_42, %dma_wait3A_95] : memref<40x125xi32, #tpu.memory_space<vmem>> -> memref<1x125xi32, #tpu.memory_space<vmem>>
        %dma_wait3A_97 = tpu.memref_squeeze %dma_wait3A_96 : memref<1x125xi32, #tpu.memory_space<vmem>> -> memref<125xi32, #tpu.memory_space<vmem>>
        %dma_wait3A_98 = arith.constant 0 : i32
        %dma_wait3A_99 = arith.constant 0 : i32
        %dma_wait3A_100 = tpu.memref_slice %arg10[%dma_wait3A_98, %dma_wait3A_99] : memref<10112x128xf32, #tpu.memory_space<vmem_shared>> -> memref<10112x128xf32, #tpu.memory_space<vmem_shared>>
        tpu.wait_indirect_dma semaphore(%run_scoped3A_80 : memref<!tpu.dma_semaphore, #tpu.memory_space<semaphore_mem>>) src(%dma_wait3A_94 : memref<125x128xf32, #tpu.memory_space<vmem>>) dst(%dma_wait3A_100 : memref<10112x128xf32, #tpu.memory_space<vmem_shared>>)
        tpu.yield
      }) : () -> ()
      %mul3A_57 = arith.constant 2 : i32
      %mul3A_58 = arith.muli %scan3A_38, %mul3A_57 : i32
      %add3A_59 = arith.constant 1 : i32
      %add3A_60 = arith.addi %mul3A_58, %add3A_59 : i32
      %add3A_61 = arith.constant 1 : i32
      %add3A_62 = arith.addi %add3A_60, %add3A_61 : i32
      %lt3A_63 = arith.constant 40 : i32
      %lt3A_64 = arith.cmpi slt, %add3A_62, %lt3A_63 : i32
      %convert_element_type3A_65 = arith.extui %lt3A_64 : i1 to i32
      %cond3A_66 = arith.constant 0 : i32
      %cond3A_67 = arith.cmpi ne, %convert_element_type3A_65, %cond3A_66 : i32
      scf.if %cond3A_67 {
        %add3A_80 = arith.constant 1 : i32
        %add3A_81 = arith.addi %add3A_60, %add3A_80 : i32
        %dma_start3A_82 = arith.constant 0 : i32
        %dma_start3A_83 = arith.constant 0 : i32
        %dma_start3A_84 = arith.constant 0 : i32
        %dma_start3A_85 = tpu.memref_slice %arg9[%dma_start3A_82, %dma_start3A_83, %dma_start3A_84] : memref<2x125x128xf32, #tpu.memory_space<vmem>> -> memref<1x125x128xf32, #tpu.memory_space<vmem>>
        %dma_start3A_86 = tpu.memref_squeeze %dma_start3A_85 : memref<1x125x128xf32, #tpu.memory_space<vmem>> -> memref<125x128xf32, #tpu.memory_space<vmem>>
        %dma_start3A_87 = arith.constant 0 : i32
        %dma_start3A_88 = tpu.memref_slice %arg7[%add3A_81, %dma_start3A_87] : memref<40x125xi32, #tpu.memory_space<vmem>> -> memref<1x125xi32, #tpu.memory_space<vmem>>
        %dma_start3A_89 = tpu.memref_squeeze %dma_start3A_88 : memref<1x125xi32, #tpu.memory_space<vmem>> -> memref<125xi32, #tpu.memory_space<vmem>>
        %dma_start3A_90 = arith.constant 0 : i32
        %dma_start3A_91 = arith.constant 0 : i32
        %dma_start3A_92 = tpu.memref_slice %arg2[%dma_start3A_90, %dma_start3A_91] : memref<10000x128xf32, #tpu.memory_space<hbm>> -> memref<10000x128xf32, #tpu.memory_space<hbm>>
        tpu.enqueue_indirect_dma source(%dma_start3A_92 : memref<10000x128xf32, #tpu.memory_space<hbm>>) target(%dma_start3A_86 : memref<125x128xf32, #tpu.memory_space<vmem>>) offsets(%dma_start3A_89 : memref<125xi32, #tpu.memory_space<vmem>>) semaphore(%arg11 : memref<!tpu.dma_semaphore, #tpu.memory_space<semaphore_mem>>)
      } else {
      }
      %dma_wait3A_68 = arith.constant 1 : i32
      %dma_wait3A_69 = arith.constant 0 : i32
      %dma_wait3A_70 = arith.constant 0 : i32
      %dma_wait3A_71 = tpu.memref_slice %arg9[%dma_wait3A_68, %dma_wait3A_69, %dma_wait3A_70] : memref<2x125x128xf32, #tpu.memory_space<vmem>> -> memref<1x125x128xf32, #tpu.memory_space<vmem>>
      %dma_wait3A_72 = tpu.memref_squeeze %dma_wait3A_71 : memref<1x125x128xf32, #tpu.memory_space<vmem>> -> memref<125x128xf32, #tpu.memory_space<vmem>>
      %dma_wait3A_73 = arith.constant 0 : i32
      %dma_wait3A_74 = tpu.memref_slice %arg7[%add3A_60, %dma_wait3A_73] : memref<40x125xi32, #tpu.memory_space<vmem>> -> memref<1x125xi32, #tpu.memory_space<vmem>>
      %dma_wait3A_75 = tpu.memref_squeeze %dma_wait3A_74 : memref<1x125xi32, #tpu.memory_space<vmem>> -> memref<125xi32, #tpu.memory_space<vmem>>
      %dma_wait3A_76 = arith.constant 0 : i32
      %dma_wait3A_77 = arith.constant 0 : i32
      %dma_wait3A_78 = tpu.memref_slice %arg2[%dma_wait3A_76, %dma_wait3A_77] : memref<10000x128xf32, #tpu.memory_space<hbm>> -> memref<10000x128xf32, #tpu.memory_space<hbm>>
      tpu.wait_indirect_dma semaphore(%arg12 : memref<!tpu.dma_semaphore, #tpu.memory_space<semaphore_mem>>) src(%dma_wait3A_78 : memref<10000x128xf32, #tpu.memory_space<hbm>>) dst(%dma_wait3A_72 : memref<125x128xf32, #tpu.memory_space<vmem>>)
      %run_scoped3A_79 = arith.constant 1 : i32
      "tpu.region"() ({
        %run_scoped3A_80 = tpu.sem_alloc : memref<!tpu.dma_semaphore, #tpu.memory_space<semaphore_mem>>
        %dma_start3A_81 = arith.constant 0 : i32
        %dma_start3A_82 = arith.constant 0 : i32
        %dma_start3A_83 = tpu.memref_slice %arg9[%run_scoped3A_79, %dma_start3A_81, %dma_start3A_82] : memref<2x125x128xf32, #tpu.memory_space<vmem>> -> memref<1x125x128xf32, #tpu.memory_space<vmem>>
        %dma_start3A_84 = tpu.memref_squeeze %dma_start3A_83 : memref<1x125x128xf32, #tpu.memory_space<vmem>> -> memref<125x128xf32, #tpu.memory_space<vmem>>
        %dma_start3A_85 = arith.constant 0 : i32
        %dma_start3A_86 = tpu.memref_slice %arg8[%add3A_60, %dma_start3A_85] : memref<40x125xi32, #tpu.memory_space<vmem>> -> memref<1x125xi32, #tpu.memory_space<vmem>>
        %dma_start3A_87 = tpu.memref_squeeze %dma_start3A_86 : memref<1x125xi32, #tpu.memory_space<vmem>> -> memref<125xi32, #tpu.memory_space<vmem>>
        %dma_start3A_88 = arith.constant 0 : i32
        %dma_start3A_89 = arith.constant 0 : i32
        %dma_start3A_90 = tpu.memref_slice %arg10[%dma_start3A_88, %dma_start3A_89] : memref<10112x128xf32, #tpu.memory_space<vmem_shared>> -> memref<10112x128xf32, #tpu.memory_space<vmem_shared>>
        tpu.enqueue_indirect_dma source(%dma_start3A_84 : memref<125x128xf32, #tpu.memory_space<vmem>>) target(%dma_start3A_90 : memref<10112x128xf32, #tpu.memory_space<vmem_shared>>) offsets(%dma_start3A_87 : memref<125xi32, #tpu.memory_space<vmem>>) semaphore(%run_scoped3A_80 : memref<!tpu.dma_semaphore, #tpu.memory_space<semaphore_mem>>) {add = true}
        %dma_wait3A_91 = arith.constant 0 : i32
        %dma_wait3A_92 = arith.constant 0 : i32
        %dma_wait3A_93 = tpu.memref_slice %arg9[%run_scoped3A_79, %dma_wait3A_91, %dma_wait3A_92] : memref<2x125x128xf32, #tpu.memory_space<vmem>> -> memref<1x125x128xf32, #tpu.memory_space<vmem>>
        %dma_wait3A_94 = tpu.memref_squeeze %dma_wait3A_93 : memref<1x125x128xf32, #tpu.memory_space<vmem>> -> memref<125x128xf32, #tpu.memory_space<vmem>>
        %dma_wait3A_95 = arith.constant 0 : i32
        %dma_wait3A_96 = tpu.memref_slice %arg8[%add3A_60, %dma_wait3A_95] : memref<40x125xi32, #tpu.memory_space<vmem>> -> memref<1x125xi32, #tpu.memory_space<vmem>>
        %dma_wait3A_97 = tpu.memref_squeeze %dma_wait3A_96 : memref<1x125xi32, #tpu.memory_space<vmem>> -> memref<125xi32, #tpu.memory_space<vmem>>
        %dma_wait3A_98 = arith.constant 0 : i32
        %dma_wait3A_99 = arith.constant 0 : i32
        %dma_wait3A_100 = tpu.memref_slice %arg10[%dma_wait3A_98, %dma_wait3A_99] : memref<10112x128xf32, #tpu.memory_space<vmem_shared>> -> memref<10112x128xf32, #tpu.memory_space<vmem_shared>>
        tpu.wait_indirect_dma semaphore(%run_scoped3A_80 : memref<!tpu.dma_semaphore, #tpu.memory_space<semaphore_mem>>) src(%dma_wait3A_94 : memref<125x128xf32, #tpu.memory_space<vmem>>) dst(%dma_wait3A_100 : memref<10112x128xf32, #tpu.memory_space<vmem_shared>>)
        tpu.yield
      }) : () -> ()
    }
    %scan3A_18 = arith.constant 20 : i32
    "tpu.region"() ({
      %run_scoped3A = tpu.sem_alloc : memref<!tpu.dma_semaphore, #tpu.memory_space<semaphore_mem>>
      %dma_start3A_38 = arith.constant 40 : i32
      %dma_start3A_39 = arith.constant 0 : i32
      %dma_start3A_40 = tpu.memref_slice %arg3[%add3A, %dma_start3A_38, %dma_start3A_39] : memref<32x80x125xi32, #tpu.memory_space<hbm>> -> memref<1x40x125xi32, #tpu.memory_space<hbm>>
      %dma_start3A_41 = tpu.memref_squeeze %dma_start3A_40 : memref<1x40x125xi32, #tpu.memory_space<hbm>> -> memref<40x125xi32, #tpu.memory_space<hbm>>
      %dma_start3A_42 = arith.constant 40 : i32
      %dma_start3A_43 = arith.constant 0 : i32
      %dma_start3A_44 = tpu.memref_slice %arg3[%add3A, %dma_start3A_42, %dma_start3A_43] : memref<32x80x125xi32, #tpu.memory_space<hbm>> -> memref<1x40x125xi32, #tpu.memory_space<hbm>>
      %dma_start3A_45 = tpu.memref_squeeze %dma_start3A_44 : memref<1x40x125xi32, #tpu.memory_space<hbm>> -> memref<40x125xi32, #tpu.memory_space<hbm>>
      tpu.enqueue_dma source(%dma_start3A_45 : memref<40x125xi32, #tpu.memory_space<hbm>>) target(%arg7 : memref<40x125xi32, #tpu.memory_space<vmem>>) target_semaphore(%run_scoped3A : memref<!tpu.dma_semaphore, #tpu.memory_space<semaphore_mem>>)
      %dma_wait3A = arith.constant 40 : i32
      %dma_wait3A_46 = arith.constant 0 : i32
      %dma_wait3A_47 = tpu.memref_slice %arg3[%add3A, %dma_wait3A, %dma_wait3A_46] : memref<32x80x125xi32, #tpu.memory_space<hbm>> -> memref<1x40x125xi32, #tpu.memory_space<hbm>>
      %dma_wait3A_48 = tpu.memref_squeeze %dma_wait3A_47 : memref<1x40x125xi32, #tpu.memory_space<hbm>> -> memref<40x125xi32, #tpu.memory_space<hbm>>
      %dma_wait3A_49 = arith.constant 40 : i32
      %dma_wait3A_50 = arith.constant 0 : i32
      %dma_wait3A_51 = tpu.memref_slice %arg3[%add3A, %dma_wait3A_49, %dma_wait3A_50] : memref<32x80x125xi32, #tpu.memory_space<hbm>> -> memref<1x40x125xi32, #tpu.memory_space<hbm>>
      %dma_wait3A_52 = tpu.memref_squeeze %dma_wait3A_51 : memref<1x40x125xi32, #tpu.memory_space<hbm>> -> memref<40x125xi32, #tpu.memory_space<hbm>>
      tpu.wait_dma2 semaphore(%run_scoped3A : memref<!tpu.dma_semaphore, #tpu.memory_space<semaphore_mem>>) src(%dma_wait3A_52 : memref<40x125xi32, #tpu.memory_space<hbm>>) dst(%arg7 : memref<40x125xi32, #tpu.memory_space<vmem>>)
      tpu.yield
    }) : () -> ()
    "tpu.region"() ({
      %run_scoped3A = tpu.sem_alloc : memref<!tpu.dma_semaphore, #tpu.memory_space<semaphore_mem>>
      %dma_start3A_38 = arith.constant 40 : i32
      %dma_start3A_39 = arith.constant 0 : i32
      %dma_start3A_40 = tpu.memref_slice %arg4[%add3A, %dma_start3A_38, %dma_start3A_39] : memref<32x80x125xi32, #tpu.memory_space<hbm>> -> memref<1x40x125xi32, #tpu.memory_space<hbm>>
      %dma_start3A_41 = tpu.memref_squeeze %dma_start3A_40 : memref<1x40x125xi32, #tpu.memory_space<hbm>> -> memref<40x125xi32, #tpu.memory_space<hbm>>
      %dma_start3A_42 = arith.constant 40 : i32
      %dma_start3A_43 = arith.constant 0 : i32
      %dma_start3A_44 = tpu.memref_slice %arg4[%add3A, %dma_start3A_42, %dma_start3A_43] : memref<32x80x125xi32, #tpu.memory_space<hbm>> -> memref<1x40x125xi32, #tpu.memory_space<hbm>>
      %dma_start3A_45 = tpu.memref_squeeze %dma_start3A_44 : memref<1x40x125xi32, #tpu.memory_space<hbm>> -> memref<40x125xi32, #tpu.memory_space<hbm>>
      tpu.enqueue_dma source(%dma_start3A_45 : memref<40x125xi32, #tpu.memory_space<hbm>>) target(%arg8 : memref<40x125xi32, #tpu.memory_space<vmem>>) target_semaphore(%run_scoped3A : memref<!tpu.dma_semaphore, #tpu.memory_space<semaphore_mem>>)
      %dma_wait3A = arith.constant 40 : i32
      %dma_wait3A_46 = arith.constant 0 : i32
      %dma_wait3A_47 = tpu.memref_slice %arg4[%add3A, %dma_wait3A, %dma_wait3A_46] : memref<32x80x125xi32, #tpu.memory_space<hbm>> -> memref<1x40x125xi32, #tpu.memory_space<hbm>>
      %dma_wait3A_48 = tpu.memref_squeeze %dma_wait3A_47 : memref<1x40x125xi32, #tpu.memory_space<hbm>> -> memref<40x125xi32, #tpu.memory_space<hbm>>
      %dma_wait3A_49 = arith.constant 40 : i32
      %dma_wait3A_50 = arith.constant 0 : i32
      %dma_wait3A_51 = tpu.memref_slice %arg4[%add3A, %dma_wait3A_49, %dma_wait3A_50] : memref<32x80x125xi32, #tpu.memory_space<hbm>> -> memref<1x40x125xi32, #tpu.memory_space<hbm>>
      %dma_wait3A_52 = tpu.memref_squeeze %dma_wait3A_51 : memref<1x40x125xi32, #tpu.memory_space<hbm>> -> memref<40x125xi32, #tpu.memory_space<hbm>>
      tpu.wait_dma2 semaphore(%run_scoped3A : memref<!tpu.dma_semaphore, #tpu.memory_space<semaphore_mem>>) src(%dma_wait3A_52 : memref<40x125xi32, #tpu.memory_space<hbm>>) dst(%arg8 : memref<40x125xi32, #tpu.memory_space<vmem>>)
      tpu.yield
    }) : () -> ()
    %dma_start3A_19 = arith.constant 0 : i32
    %dma_start3A_20 = arith.constant 0 : i32
    %dma_start3A_21 = arith.constant 0 : i32
    %dma_start3A_22 = arith.constant 0 : i32
    %dma_start3A_23 = tpu.memref_slice %arg9[%dma_start3A_20, %dma_start3A_21, %dma_start3A_22] : memref<2x125x128xf32, #tpu.memory_space<vmem>> -> memref<1x125x128xf32, #tpu.memory_space<vmem>>
    %dma_start3A_24 = tpu.memref_squeeze %dma_start3A_23 : memref<1x125x128xf32, #tpu.memory_space<vmem>> -> memref<125x128xf32, #tpu.memory_space<vmem>>
    %dma_start3A_25 = arith.constant 0 : i32
    %dma_start3A_26 = tpu.memref_slice %arg7[%dma_start3A_19, %dma_start3A_25] : memref<40x125xi32, #tpu.memory_space<vmem>> -> memref<1x125xi32, #tpu.memory_space<vmem>>
    %dma_start3A_27 = tpu.memref_squeeze %dma_start3A_26 : memref<1x125xi32, #tpu.memory_space<vmem>> -> memref<125xi32, #tpu.memory_space<vmem>>
    %dma_start3A_28 = arith.constant 0 : i32
    %dma_start3A_29 = arith.constant 0 : i32
    %dma_start3A_30 = tpu.memref_slice %arg2[%dma_start3A_28, %dma_start3A_29] : memref<10000x128xf32, #tpu.memory_space<hbm>> -> memref<10000x128xf32, #tpu.memory_space<hbm>>
    tpu.enqueue_indirect_dma source(%dma_start3A_30 : memref<10000x128xf32, #tpu.memory_space<hbm>>) target(%dma_start3A_24 : memref<125x128xf32, #tpu.memory_space<vmem>>) offsets(%dma_start3A_27 : memref<125xi32, #tpu.memory_space<vmem>>) semaphore(%arg11 : memref<!tpu.dma_semaphore, #tpu.memory_space<semaphore_mem>>)
    %scan3A_31 = arith.constant 0 : i32
    %scan3A_32 = arith.constant 0 : i32
    %scan3A_33 = arith.constant 20 : i32
    %scan3A_34 = arith.addi %scan3A_32, %scan3A_33 : i32
    %scan3A_35 = arith.constant 1 : i32
    scf.for %scan3A_38 = %scan3A_32 to %scan3A_34 step %scan3A_35  : i32 {
      %mul3A_39 = arith.constant 2 : i32
      %mul3A_40 = arith.muli %scan3A_38, %mul3A_39 : i32
      %add3A_41 = arith.constant 0 : i32
      %add3A_42 = arith.addi %mul3A_40, %add3A_41 : i32
      %add3A_43 = arith.constant 1 : i32
      %add3A_44 = arith.addi %add3A_42, %add3A_43 : i32
      %lt3A = arith.constant 40 : i32
      %lt3A_45 = arith.cmpi slt, %add3A_44, %lt3A : i32
      %convert_element_type3A = arith.extui %lt3A_45 : i1 to i32
      %cond3A = arith.constant 0 : i32
      %cond3A_46 = arith.cmpi ne, %convert_element_type3A, %cond3A : i32
      scf.if %cond3A_46 {
        %add3A_80 = arith.constant 1 : i32
        %add3A_81 = arith.addi %add3A_42, %add3A_80 : i32
        %dma_start3A_82 = arith.constant 1 : i32
        %dma_start3A_83 = arith.constant 0 : i32
        %dma_start3A_84 = arith.constant 0 : i32
        %dma_start3A_85 = tpu.memref_slice %arg9[%dma_start3A_82, %dma_start3A_83, %dma_start3A_84] : memref<2x125x128xf32, #tpu.memory_space<vmem>> -> memref<1x125x128xf32, #tpu.memory_space<vmem>>
        %dma_start3A_86 = tpu.memref_squeeze %dma_start3A_85 : memref<1x125x128xf32, #tpu.memory_space<vmem>> -> memref<125x128xf32, #tpu.memory_space<vmem>>
        %dma_start3A_87 = arith.constant 0 : i32
        %dma_start3A_88 = tpu.memref_slice %arg7[%add3A_81, %dma_start3A_87] : memref<40x125xi32, #tpu.memory_space<vmem>> -> memref<1x125xi32, #tpu.memory_space<vmem>>
        %dma_start3A_89 = tpu.memref_squeeze %dma_start3A_88 : memref<1x125xi32, #tpu.memory_space<vmem>> -> memref<125xi32, #tpu.memory_space<vmem>>
        %dma_start3A_90 = arith.constant 0 : i32
        %dma_start3A_91 = arith.constant 0 : i32
        %dma_start3A_92 = tpu.memref_slice %arg2[%dma_start3A_90, %dma_start3A_91] : memref<10000x128xf32, #tpu.memory_space<hbm>> -> memref<10000x128xf32, #tpu.memory_space<hbm>>
        tpu.enqueue_indirect_dma source(%dma_start3A_92 : memref<10000x128xf32, #tpu.memory_space<hbm>>) target(%dma_start3A_86 : memref<125x128xf32, #tpu.memory_space<vmem>>) offsets(%dma_start3A_89 : memref<125xi32, #tpu.memory_space<vmem>>) semaphore(%arg12 : memref<!tpu.dma_semaphore, #tpu.memory_space<semaphore_mem>>)
      } else {
      }
      %dma_wait3A = arith.constant 0 : i32
      %dma_wait3A_47 = arith.constant 0 : i32
      %dma_wait3A_48 = arith.constant 0 : i32
      %dma_wait3A_49 = tpu.memref_slice %arg9[%dma_wait3A, %dma_wait3A_47, %dma_wait3A_48] : memref<2x125x128xf32, #tpu.memory_space<vmem>> -> memref<1x125x128xf32, #tpu.memory_space<vmem>>
      %dma_wait3A_50 = tpu.memref_squeeze %dma_wait3A_49 : memref<1x125x128xf32, #tpu.memory_space<vmem>> -> memref<125x128xf32, #tpu.memory_space<vmem>>
      %dma_wait3A_51 = arith.constant 0 : i32
      %dma_wait3A_52 = tpu.memref_slice %arg7[%add3A_42, %dma_wait3A_51] : memref<40x125xi32, #tpu.memory_space<vmem>> -> memref<1x125xi32, #tpu.memory_space<vmem>>
      %dma_wait3A_53 = tpu.memref_squeeze %dma_wait3A_52 : memref<1x125xi32, #tpu.memory_space<vmem>> -> memref<125xi32, #tpu.memory_space<vmem>>
      %dma_wait3A_54 = arith.constant 0 : i32
      %dma_wait3A_55 = arith.constant 0 : i32
      %dma_wait3A_56 = tpu.memref_slice %arg2[%dma_wait3A_54, %dma_wait3A_55] : memref<10000x128xf32, #tpu.memory_space<hbm>> -> memref<10000x128xf32, #tpu.memory_space<hbm>>
      tpu.wait_indirect_dma semaphore(%arg11 : memref<!tpu.dma_semaphore, #tpu.memory_space<semaphore_mem>>) src(%dma_wait3A_56 : memref<10000x128xf32, #tpu.memory_space<hbm>>) dst(%dma_wait3A_50 : memref<125x128xf32, #tpu.memory_space<vmem>>)
      %run_scoped3A = arith.constant 0 : i32
      "tpu.region"() ({
        %run_scoped3A_80 = tpu.sem_alloc : memref<!tpu.dma_semaphore, #tpu.memory_space<semaphore_mem>>
        %dma_start3A_81 = arith.constant 0 : i32
        %dma_start3A_82 = arith.constant 0 : i32
        %dma_start3A_83 = tpu.memref_slice %arg9[%run_scoped3A, %dma_start3A_81, %dma_start3A_82] : memref<2x125x128xf32, #tpu.memory_space<vmem>> -> memref<1x125x128xf32, #tpu.memory_space<vmem>>
        %dma_start3A_84 = tpu.memref_squeeze %dma_start3A_83 : memref<1x125x128xf32, #tpu.memory_space<vmem>> -> memref<125x128xf32, #tpu.memory_space<vmem>>
        %dma_start3A_85 = arith.constant 0 : i32
        %dma_start3A_86 = tpu.memref_slice %arg8[%add3A_42, %dma_start3A_85] : memref<40x125xi32, #tpu.memory_space<vmem>> -> memref<1x125xi32, #tpu.memory_space<vmem>>
        %dma_start3A_87 = tpu.memref_squeeze %dma_start3A_86 : memref<1x125xi32, #tpu.memory_space<vmem>> -> memref<125xi32, #tpu.memory_space<vmem>>
        %dma_start3A_88 = arith.constant 0 : i32
        %dma_start3A_89 = arith.constant 0 : i32
        %dma_start3A_90 = tpu.memref_slice %arg10[%dma_start3A_88, %dma_start3A_89] : memref<10112x128xf32, #tpu.memory_space<vmem_shared>> -> memref<10112x128xf32, #tpu.memory_space<vmem_shared>>
        tpu.enqueue_indirect_dma source(%dma_start3A_84 : memref<125x128xf32, #tpu.memory_space<vmem>>) target(%dma_start3A_90 : memref<10112x128xf32, #tpu.memory_space<vmem_shared>>) offsets(%dma_start3A_87 : memref<125xi32, #tpu.memory_space<vmem>>) semaphore(%run_scoped3A_80 : memref<!tpu.dma_semaphore, #tpu.memory_space<semaphore_mem>>) {add = true}
        %dma_wait3A_91 = arith.constant 0 : i32
        %dma_wait3A_92 = arith.constant 0 : i32
        %dma_wait3A_93 = tpu.memref_slice %arg9[%run_scoped3A, %dma_wait3A_91, %dma_wait3A_92] : memref<2x125x128xf32, #tpu.memory_space<vmem>> -> memref<1x125x128xf32, #tpu.memory_space<vmem>>
        %dma_wait3A_94 = tpu.memref_squeeze %dma_wait3A_93 : memref<1x125x128xf32, #tpu.memory_space<vmem>> -> memref<125x128xf32, #tpu.memory_space<vmem>>
        %dma_wait3A_95 = arith.constant 0 : i32
        %dma_wait3A_96 = tpu.memref_slice %arg8[%add3A_42, %dma_wait3A_95] : memref<40x125xi32, #tpu.memory_space<vmem>> -> memref<1x125xi32, #tpu.memory_space<vmem>>
        %dma_wait3A_97 = tpu.memref_squeeze %dma_wait3A_96 : memref<1x125xi32, #tpu.memory_space<vmem>> -> memref<125xi32, #tpu.memory_space<vmem>>
        %dma_wait3A_98 = arith.constant 0 : i32
        %dma_wait3A_99 = arith.constant 0 : i32
        %dma_wait3A_100 = tpu.memref_slice %arg10[%dma_wait3A_98, %dma_wait3A_99] : memref<10112x128xf32, #tpu.memory_space<vmem_shared>> -> memref<10112x128xf32, #tpu.memory_space<vmem_shared>>
        tpu.wait_indirect_dma semaphore(%run_scoped3A_80 : memref<!tpu.dma_semaphore, #tpu.memory_space<semaphore_mem>>) src(%dma_wait3A_94 : memref<125x128xf32, #tpu.memory_space<vmem>>) dst(%dma_wait3A_100 : memref<10112x128xf32, #tpu.memory_space<vmem_shared>>)
        tpu.yield
      }) : () -> ()
      %mul3A_57 = arith.constant 2 : i32
      %mul3A_58 = arith.muli %scan3A_38, %mul3A_57 : i32
      %add3A_59 = arith.constant 1 : i32
      %add3A_60 = arith.addi %mul3A_58, %add3A_59 : i32
      %add3A_61 = arith.constant 1 : i32
      %add3A_62 = arith.addi %add3A_60, %add3A_61 : i32
      %lt3A_63 = arith.constant 40 : i32
      %lt3A_64 = arith.cmpi slt, %add3A_62, %lt3A_63 : i32
      %convert_element_type3A_65 = arith.extui %lt3A_64 : i1 to i32
      %cond3A_66 = arith.constant 0 : i32
      %cond3A_67 = arith.cmpi ne, %convert_element_type3A_65, %cond3A_66 : i32
      scf.if %cond3A_67 {
        %add3A_80 = arith.constant 1 : i32
        %add3A_81 = arith.addi %add3A_60, %add3A_80 : i32
        %dma_start3A_82 = arith.constant 0 : i32
        %dma_start3A_83 = arith.constant 0 : i32
        %dma_start3A_84 = arith.constant 0 : i32
        %dma_start3A_85 = tpu.memref_slice %arg9[%dma_start3A_82, %dma_start3A_83, %dma_start3A_84] : memref<2x125x128xf32, #tpu.memory_space<vmem>> -> memref<1x125x128xf32, #tpu.memory_space<vmem>>
        %dma_start3A_86 = tpu.memref_squeeze %dma_start3A_85 : memref<1x125x128xf32, #tpu.memory_space<vmem>> -> memref<125x128xf32, #tpu.memory_space<vmem>>
        %dma_start3A_87 = arith.constant 0 : i32
        %dma_start3A_88 = tpu.memref_slice %arg7[%add3A_81, %dma_start3A_87] : memref<40x125xi32, #tpu.memory_space<vmem>> -> memref<1x125xi32, #tpu.memory_space<vmem>>
        %dma_start3A_89 = tpu.memref_squeeze %dma_start3A_88 : memref<1x125xi32, #tpu.memory_space<vmem>> -> memref<125xi32, #tpu.memory_space<vmem>>
        %dma_start3A_90 = arith.constant 0 : i32
        %dma_start3A_91 = arith.constant 0 : i32
        %dma_start3A_92 = tpu.memref_slice %arg2[%dma_start3A_90, %dma_start3A_91] : memref<10000x128xf32, #tpu.memory_space<hbm>> -> memref<10000x128xf32, #tpu.memory_space<hbm>>
        tpu.enqueue_indirect_dma source(%dma_start3A_92 : memref<10000x128xf32, #tpu.memory_space<hbm>>) target(%dma_start3A_86 : memref<125x128xf32, #tpu.memory_space<vmem>>) offsets(%dma_start3A_89 : memref<125xi32, #tpu.memory_space<vmem>>) semaphore(%arg11 : memref<!tpu.dma_semaphore, #tpu.memory_space<semaphore_mem>>)
      } else {
      }
      %dma_wait3A_68 = arith.constant 1 : i32
      %dma_wait3A_69 = arith.constant 0 : i32
      %dma_wait3A_70 = arith.constant 0 : i32
      %dma_wait3A_71 = tpu.memref_slice %arg9[%dma_wait3A_68, %dma_wait3A_69, %dma_wait3A_70] : memref<2x125x128xf32, #tpu.memory_space<vmem>> -> memref<1x125x128xf32, #tpu.memory_space<vmem>>
      %dma_wait3A_72 = tpu.memref_squeeze %dma_wait3A_71 : memref<1x125x128xf32, #tpu.memory_space<vmem>> -> memref<125x128xf32, #tpu.memory_space<vmem>>
      %dma_wait3A_73 = arith.constant 0 : i32
      %dma_wait3A_74 = tpu.memref_slice %arg7[%add3A_60, %dma_wait3A_73] : memref<40x125xi32, #tpu.memory_space<vmem>> -> memref<1x125xi32, #tpu.memory_space<vmem>>
      %dma_wait3A_75 = tpu.memref_squeeze %dma_wait3A_74 : memref<1x125xi32, #tpu.memory_space<vmem>> -> memref<125xi32, #tpu.memory_space<vmem>>
      %dma_wait3A_76 = arith.constant 0 : i32
      %dma_wait3A_77 = arith.constant 0 : i32
      %dma_wait3A_78 = tpu.memref_slice %arg2[%dma_wait3A_76, %dma_wait3A_77] : memref<10000x128xf32, #tpu.memory_space<hbm>> -> memref<10000x128xf32, #tpu.memory_space<hbm>>
      tpu.wait_indirect_dma semaphore(%arg12 : memref<!tpu.dma_semaphore, #tpu.memory_space<semaphore_mem>>) src(%dma_wait3A_78 : memref<10000x128xf32, #tpu.memory_space<hbm>>) dst(%dma_wait3A_72 : memref<125x128xf32, #tpu.memory_space<vmem>>)
      %run_scoped3A_79 = arith.constant 1 : i32
      "tpu.region"() ({
        %run_scoped3A_80 = tpu.sem_alloc : memref<!tpu.dma_semaphore, #tpu.memory_space<semaphore_mem>>
        %dma_start3A_81 = arith.constant 0 : i32
        %dma_start3A_82 = arith.constant 0 : i32
        %dma_start3A_83 = tpu.memref_slice %arg9[%run_scoped3A_79, %dma_start3A_81, %dma_start3A_82] : memref<2x125x128xf32, #tpu.memory_space<vmem>> -> memref<1x125x128xf32, #tpu.memory_space<vmem>>
        %dma_start3A_84 = tpu.memref_squeeze %dma_start3A_83 : memref<1x125x128xf32, #tpu.memory_space<vmem>> -> memref<125x128xf32, #tpu.memory_space<vmem>>
        %dma_start3A_85 = arith.constant 0 : i32
        %dma_start3A_86 = tpu.memref_slice %arg8[%add3A_60, %dma_start3A_85] : memref<40x125xi32, #tpu.memory_space<vmem>> -> memref<1x125xi32, #tpu.memory_space<vmem>>
        %dma_start3A_87 = tpu.memref_squeeze %dma_start3A_86 : memref<1x125xi32, #tpu.memory_space<vmem>> -> memref<125xi32, #tpu.memory_space<vmem>>
        %dma_start3A_88 = arith.constant 0 : i32
        %dma_start3A_89 = arith.constant 0 : i32
        %dma_start3A_90 = tpu.memref_slice %arg10[%dma_start3A_88, %dma_start3A_89] : memref<10112x128xf32, #tpu.memory_space<vmem_shared>> -> memref<10112x128xf32, #tpu.memory_space<vmem_shared>>
        tpu.enqueue_indirect_dma source(%dma_start3A_84 : memref<125x128xf32, #tpu.memory_space<vmem>>) target(%dma_start3A_90 : memref<10112x128xf32, #tpu.memory_space<vmem_shared>>) offsets(%dma_start3A_87 : memref<125xi32, #tpu.memory_space<vmem>>) semaphore(%run_scoped3A_80 : memref<!tpu.dma_semaphore, #tpu.memory_space<semaphore_mem>>) {add = true}
        %dma_wait3A_91 = arith.constant 0 : i32
        %dma_wait3A_92 = arith.constant 0 : i32
        %dma_wait3A_93 = tpu.memref_slice %arg9[%run_scoped3A_79, %dma_wait3A_91, %dma_wait3A_92] : memref<2x125x128xf32, #tpu.memory_space<vmem>> -> memref<1x125x128xf32, #tpu.memory_space<vmem>>
        %dma_wait3A_94 = tpu.memref_squeeze %dma_wait3A_93 : memref<1x125x128xf32, #tpu.memory_space<vmem>> -> memref<125x128xf32, #tpu.memory_space<vmem>>
        %dma_wait3A_95 = arith.constant 0 : i32
        %dma_wait3A_96 = tpu.memref_slice %arg8[%add3A_60, %dma_wait3A_95] : memref<40x125xi32, #tpu.memory_space<vmem>> -> memref<1x125xi32, #tpu.memory_space<vmem>>
        %dma_wait3A_97 = tpu.memref_squeeze %dma_wait3A_96 : memref<1x125xi32, #tpu.memory_space<vmem>> -> memref<125xi32, #tpu.memory_space<vmem>>
        %dma_wait3A_98 = arith.constant 0 : i32
        %dma_wait3A_99 = arith.constant 0 : i32
        %dma_wait3A_100 = tpu.memref_slice %arg10[%dma_wait3A_98, %dma_wait3A_99] : memref<10112x128xf32, #tpu.memory_space<vmem_shared>> -> memref<10112x128xf32, #tpu.memory_space<vmem_shared>>
        tpu.wait_indirect_dma semaphore(%run_scoped3A_80 : memref<!tpu.dma_semaphore, #tpu.memory_space<semaphore_mem>>) src(%dma_wait3A_94 : memref<125x128xf32, #tpu.memory_space<vmem>>) dst(%dma_wait3A_100 : memref<10112x128xf32, #tpu.memory_space<vmem_shared>>)
        tpu.yield
      }) : () -> ()
    }
    %scan3A_36 = arith.constant 20 : i32
    %barrier3A_37 = arith.constant 0 : index
    tpu.barrier barrier_id(%barrier3A_37)
    "tpu.region"() ({
      %run_scoped3A = tpu.sem_alloc : memref<!tpu.dma_semaphore, #tpu.memory_space<semaphore_mem>>
      %dma_start3A_38 = arith.constant 0 : i32
      %dma_start3A_39 = tpu.memref_slice %arg6[%arg0, %multiple_of3A, %dma_start3A_38] : memref<2x10112x128xf32, #tpu.memory_space<hbm>> -> memref<1x632x128xf32, #tpu.memory_space<hbm>>
      %dma_start3A_40 = tpu.memref_squeeze %dma_start3A_39 : memref<1x632x128xf32, #tpu.memory_space<hbm>> -> memref<632x128xf32, #tpu.memory_space<hbm>>
      %dma_start3A_41 = arith.constant 0 : i32
      %dma_start3A_42 = tpu.memref_slice %arg10[%multiple_of3A, %dma_start3A_41] : memref<10112x128xf32, #tpu.memory_space<vmem_shared>> -> memref<632x128xf32, #tpu.memory_space<vmem_shared>>
      tpu.enqueue_dma source(%dma_start3A_42 : memref<632x128xf32, #tpu.memory_space<vmem_shared>>) target(%dma_start3A_40 : memref<632x128xf32, #tpu.memory_space<hbm>>) target_semaphore(%run_scoped3A : memref<!tpu.dma_semaphore, #tpu.memory_space<semaphore_mem>>)
      %dma_wait3A = arith.constant 0 : i32
      %dma_wait3A_43 = tpu.memref_slice %arg6[%arg0, %multiple_of3A, %dma_wait3A] : memref<2x10112x128xf32, #tpu.memory_space<hbm>> -> memref<1x632x128xf32, #tpu.memory_space<hbm>>
      %dma_wait3A_44 = tpu.memref_squeeze %dma_wait3A_43 : memref<1x632x128xf32, #tpu.memory_space<hbm>> -> memref<632x128xf32, #tpu.memory_space<hbm>>
      %dma_wait3A_45 = arith.constant 0 : i32
      %dma_wait3A_46 = tpu.memref_slice %arg10[%multiple_of3A, %dma_wait3A_45] : memref<10112x128xf32, #tpu.memory_space<vmem_shared>> -> memref<632x128xf32, #tpu.memory_space<vmem_shared>>
      tpu.wait_dma2 semaphore(%run_scoped3A : memref<!tpu.dma_semaphore, #tpu.memory_space<semaphore_mem>>) src(%dma_wait3A_46 : memref<632x128xf32, #tpu.memory_space<vmem_shared>>) dst(%dma_wait3A_44 : memref<632x128xf32, #tpu.memory_space<hbm>>)
      tpu.yield
    }) : () -> ()
    return
  }
}

module attributes {stable_mosaic.version = 14 : i64} {
  func.func @_stage_a_body(%arg0: i32, %arg1: memref<1000x128xf32, #tpu.memory_space<vmem>>, %arg2: memref<128x128xf32, #tpu.memory_space<vmem>>, %arg3: memref<128x128xf32, #tpu.memory_space<vmem>>, %arg4: memref<1x128xf32, #tpu.memory_space<vmem>>, %arg5: memref<1000x128xf32, #tpu.memory_space<vmem>>, %arg6: memref<1000x128xf32, #tpu.memory_space<vmem>>) attributes {dimension_semantics = [#tpu.dimension_semantics<arbitrary>], iteration_bounds = array<i64: 10>, scalar_prefetch = 0 : i64, scratch_operands = 0 : i64, tpu.core_type = #tpu.core_type<tc>, window_params = [{transform_indices = @transform_0, window_bounds = array<i64: 1000, 128>}, {pipeline_mode = #tpu.pipeline_mode<synchronous>, transform_indices = @transform_1, window_bounds = array<i64: 128, 128>}, {pipeline_mode = #tpu.pipeline_mode<synchronous>, transform_indices = @transform_2, window_bounds = array<i64: 128, 128>}, {pipeline_mode = #tpu.pipeline_mode<synchronous>, transform_indices = @transform_3, window_bounds = array<i64: 1, 128>}, {transform_indices = @transform_4, window_bounds = array<i64: 1000, 128>}, {transform_indices = @transform_5, window_bounds = array<i64: 1000, 128>}]} {
    %get3A = arith.constant 0 : index
    %get3A_0 = arith.constant 0 : index
    %get3A_1 = vector.load %arg1[%get3A, %get3A_0] : memref<1000x128xf32, #tpu.memory_space<vmem>>, vector<1000x128xf32>
    %get3A_2 = arith.constant 0 : index
    %get3A_3 = arith.constant 0 : index
    %get3A_4 = vector.load %arg2[%get3A_2, %get3A_3] : memref<128x128xf32, #tpu.memory_space<vmem>>, vector<128x128xf32>
    %dot_general3A = arith.constant dense<0.000000e+00> : vector<1000x128xf32>
    %dot_general3A_5 = tpu.matmul %get3A_1, %get3A_4, %dot_general3A {dimension_numbers = #tpu.dot_dimension_numbers<[1], [0], [0], [1], [0, 0, 1, 1], [], []>, transpose_lhs_hint = false} : vector<1000x128xf32>, vector<128x128xf32>, vector<1000x128xf32> -> vector<1000x128xf32>
    %swap3A = arith.constant 0 : index
    %swap3A_6 = arith.constant 0 : index
    %swap3A_7 = vector.load %arg5[%swap3A, %swap3A_6] : memref<1000x128xf32, #tpu.memory_space<vmem>>, vector<1000x128xf32>
    tpu.vector_store %arg5[%swap3A, %swap3A_6], %dot_general3A_5 {strides = array<i32>} : memref<1000x128xf32, #tpu.memory_space<vmem>>, vector<1000x128xf32>,
    %get3A_8 = arith.constant 0 : index
    %get3A_9 = arith.constant 0 : index
    %get3A_10 = vector.load %arg3[%get3A_8, %get3A_9] : memref<128x128xf32, #tpu.memory_space<vmem>>, vector<128x128xf32>
    %dot_general3A_11 = arith.constant dense<0.000000e+00> : vector<1000x128xf32>
    %dot_general3A_12 = tpu.matmul %get3A_1, %get3A_10, %dot_general3A_11 {dimension_numbers = #tpu.dot_dimension_numbers<[1], [0], [0], [1], [0, 0, 1, 1], [], []>, transpose_lhs_hint = false} : vector<1000x128xf32>, vector<128x128xf32>, vector<1000x128xf32> -> vector<1000x128xf32>
    %get3A_13 = arith.constant 0 : index
    %get3A_14 = arith.constant 0 : index
    %get3A_15 = vector.load %arg4[%get3A_13, %get3A_14] : memref<1x128xf32, #tpu.memory_space<vmem>>, vector<1x128xf32>
    %add3A = vector.broadcast %get3A_15 : vector<1x128xf32> to vector<1000x128xf32>
    %add3A_16 = arith.addf %dot_general3A_12, %add3A : vector<1000x128xf32>
    %max3A = arith.constant 0.000000e+00 : f32
    %max3A_17 = vector.broadcast %max3A : f32 to vector<1000x128xf32>
    %max3A_18 = arith.maximumf %add3A_16, %max3A_17 : vector<1000x128xf32>
    %swap3A_19 = arith.constant 0 : index
    %swap3A_20 = arith.constant 0 : index
    %swap3A_21 = vector.load %arg6[%swap3A_19, %swap3A_20] : memref<1000x128xf32, #tpu.memory_space<vmem>>, vector<1000x128xf32>
    tpu.vector_store %arg6[%swap3A_19, %swap3A_20], %max3A_18 {strides = array<i32>} : memref<1000x128xf32, #tpu.memory_space<vmem>>, vector<1000x128xf32>,
    return
  }
  func.func @transform_0(%arg0: i32) -> (i32, i32) {
    %c0_i32 = arith.constant 0 : i32
    %c0_i32_0 = arith.constant 0 : i32
    return %arg0, %c0_i32 : i32, i32
  }
  func.func @transform_1(%arg0: i32) -> (i32, i32) {
    %c0_i32 = arith.constant 0 : i32
    %c0_i32_0 = arith.constant 0 : i32
    %c0_i32_1 = arith.constant 0 : i32
    return %c0_i32, %c0_i32_0 : i32, i32
  }
  func.func @transform_2(%arg0: i32) -> (i32, i32) {
    %c0_i32 = arith.constant 0 : i32
    %c0_i32_0 = arith.constant 0 : i32
    %c0_i32_1 = arith.constant 0 : i32
    return %c0_i32, %c0_i32_0 : i32, i32
  }
  func.func @transform_3(%arg0: i32) -> (i32, i32) {
    %c0_i32 = arith.constant 0 : i32
    %c0_i32_0 = arith.constant 0 : i32
    %c0_i32_1 = arith.constant 0 : i32
    return %c0_i32, %c0_i32_0 : i32, i32
  }
  func.func @transform_4(%arg0: i32) -> (i32, i32) {
    %c0_i32 = arith.constant 0 : i32
    %c0_i32_0 = arith.constant 0 : i32
    return %arg0, %c0_i32 : i32, i32
  }
  func.func @transform_5(%arg0: i32) -> (i32, i32) {
    %c0_i32 = arith.constant 0 : i32
    %c0_i32_0 = arith.constant 0 : i32
    return %arg0, %c0_i32 : i32, i32
  }
}

module attributes {stable_mosaic.version = 14 : i64} {
  func.func @_stage_b_body(%arg0: i32, %arg1: memref<2x1000x128xf32, #tpu.memory_space<vmem>>, %arg2: memref<1x128xf32, #tpu.memory_space<vmem>>, %arg3: memref<1000x128xf32, #tpu.memory_space<vmem>>, %arg4: memref<128x128xf32, #tpu.memory_space<vmem>>, %arg5: memref<128x128xf32, #tpu.memory_space<vmem>>, %arg6: memref<1x128xf32, #tpu.memory_space<vmem>>, %arg7: memref<1000x128xf32, #tpu.memory_space<vmem>>, %arg8: memref<1000x128xf32, #tpu.memory_space<vmem>>) attributes {dimension_semantics = [#tpu.dimension_semantics<arbitrary>], iteration_bounds = array<i64: 10>, scalar_prefetch = 0 : i64, scratch_operands = 0 : i64, tpu.core_type = #tpu.core_type<tc>, window_params = [{transform_indices = @transform_0, window_bounds = array<i64: 2, 1000, 128>}, {pipeline_mode = #tpu.pipeline_mode<synchronous>, transform_indices = @transform_1, window_bounds = array<i64: 1, 128>}, {transform_indices = @transform_2, window_bounds = array<i64: 1000, 128>}, {pipeline_mode = #tpu.pipeline_mode<synchronous>, transform_indices = @transform_3, window_bounds = array<i64: 128, 128>}, {pipeline_mode = #tpu.pipeline_mode<synchronous>, transform_indices = @transform_4, window_bounds = array<i64: 128, 128>}, {pipeline_mode = #tpu.pipeline_mode<synchronous>, transform_indices = @transform_5, window_bounds = array<i64: 1, 128>}, {transform_indices = @transform_6, window_bounds = array<i64: 1000, 128>}, {transform_indices = @transform_7, window_bounds = array<i64: 1000, 128>}]} {
    %get3A = arith.constant 0 : index
    %get3A_0 = arith.constant 0 : index
    %get3A_1 = arith.constant 0 : index
    %get3A_2 = vector.load %arg1[%get3A, %get3A_0, %get3A_1] : memref<2x1000x128xf32, #tpu.memory_space<vmem>>, vector<1x1000x128xf32>
    %get3A_3 = vector.shape_cast %get3A_2 : vector<1x1000x128xf32> to vector<1000x128xf32>
    %get3A_4 = arith.constant 1 : index
    %get3A_5 = arith.constant 0 : index
    %get3A_6 = arith.constant 0 : index
    %get3A_7 = vector.load %arg1[%get3A_4, %get3A_5, %get3A_6] : memref<2x1000x128xf32, #tpu.memory_space<vmem>>, vector<1x1000x128xf32>
    %get3A_8 = vector.shape_cast %get3A_7 : vector<1x1000x128xf32> to vector<1000x128xf32>
    %add3A = arith.addf %get3A_3, %get3A_8 : vector<1000x128xf32>
    %get3A_9 = arith.constant 0 : index
    %get3A_10 = arith.constant 0 : index
    %get3A_11 = vector.load %arg2[%get3A_9, %get3A_10] : memref<1x128xf32, #tpu.memory_space<vmem>>, vector<1x128xf32>
    %add3A_12 = vector.broadcast %get3A_11 : vector<1x128xf32> to vector<1000x128xf32>
    %add3A_13 = arith.addf %add3A, %add3A_12 : vector<1000x128xf32>
    %max3A = arith.constant 0.000000e+00 : f32
    %max3A_14 = vector.broadcast %max3A : f32 to vector<1000x128xf32>
    %max3A_15 = arith.maximumf %add3A_13, %max3A_14 : vector<1000x128xf32>
    %get3A_16 = arith.constant 0 : index
    %get3A_17 = arith.constant 0 : index
    %get3A_18 = vector.load %arg3[%get3A_16, %get3A_17] : memref<1000x128xf32, #tpu.memory_space<vmem>>, vector<1000x128xf32>
    %add3A_19 = arith.addf %max3A_15, %get3A_18 : vector<1000x128xf32>
    %get3A_20 = arith.constant 0 : index
    %get3A_21 = arith.constant 0 : index
    %get3A_22 = vector.load %arg4[%get3A_20, %get3A_21] : memref<128x128xf32, #tpu.memory_space<vmem>>, vector<128x128xf32>
    %dot_general3A = arith.constant dense<0.000000e+00> : vector<1000x128xf32>
    %dot_general3A_23 = tpu.matmul %add3A_19, %get3A_22, %dot_general3A {dimension_numbers = #tpu.dot_dimension_numbers<[1], [0], [0], [1], [0, 0, 1, 1], [], []>, transpose_lhs_hint = false} : vector<1000x128xf32>, vector<128x128xf32>, vector<1000x128xf32> -> vector<1000x128xf32>
    %swap3A = arith.constant 0 : index
    %swap3A_24 = arith.constant 0 : index
    %swap3A_25 = vector.load %arg7[%swap3A, %swap3A_24] : memref<1000x128xf32, #tpu.memory_space<vmem>>, vector<1000x128xf32>
    tpu.vector_store %arg7[%swap3A, %swap3A_24], %dot_general3A_23 {strides = array<i32>} : memref<1000x128xf32, #tpu.memory_space<vmem>>, vector<1000x128xf32>,
    %get3A_26 = arith.constant 0 : index
    %get3A_27 = arith.constant 0 : index
    %get3A_28 = vector.load %arg5[%get3A_26, %get3A_27] : memref<128x128xf32, #tpu.memory_space<vmem>>, vector<128x128xf32>
    %dot_general3A_29 = arith.constant dense<0.000000e+00> : vector<1000x128xf32>
    %dot_general3A_30 = tpu.matmul %add3A_19, %get3A_28, %dot_general3A_29 {dimension_numbers = #tpu.dot_dimension_numbers<[1], [0], [0], [1], [0, 0, 1, 1], [], []>, transpose_lhs_hint = false} : vector<1000x128xf32>, vector<128x128xf32>, vector<1000x128xf32> -> vector<1000x128xf32>
    %get3A_31 = arith.constant 0 : index
    %get3A_32 = arith.constant 0 : index
    %get3A_33 = vector.load %arg6[%get3A_31, %get3A_32] : memref<1x128xf32, #tpu.memory_space<vmem>>, vector<1x128xf32>
    %add3A_34 = vector.broadcast %get3A_33 : vector<1x128xf32> to vector<1000x128xf32>
    %add3A_35 = arith.addf %dot_general3A_30, %add3A_34 : vector<1000x128xf32>
    %max3A_36 = arith.constant 0.000000e+00 : f32
    %max3A_37 = vector.broadcast %max3A_36 : f32 to vector<1000x128xf32>
    %max3A_38 = arith.maximumf %add3A_35, %max3A_37 : vector<1000x128xf32>
    %swap3A_39 = arith.constant 0 : index
    %swap3A_40 = arith.constant 0 : index
    %swap3A_41 = vector.load %arg8[%swap3A_39, %swap3A_40] : memref<1000x128xf32, #tpu.memory_space<vmem>>, vector<1000x128xf32>
    tpu.vector_store %arg8[%swap3A_39, %swap3A_40], %max3A_38 {strides = array<i32>} : memref<1000x128xf32, #tpu.memory_space<vmem>>, vector<1000x128xf32>,
    return
  }
  func.func @transform_0(%arg0: i32) -> (i32, i32, i32) {
    %c0_i32 = arith.constant 0 : i32
    %c0_i32_0 = arith.constant 0 : i32
    %c0_i32_1 = arith.constant 0 : i32
    return %c0_i32, %arg0, %c0_i32_0 : i32, i32, i32
  }
  func.func @transform_1(%arg0: i32) -> (i32, i32) {
    %c0_i32 = arith.constant 0 : i32
    %c0_i32_0 = arith.constant 0 : i32
    %c0_i32_1 = arith.constant 0 : i32
    return %c0_i32, %c0_i32_0 : i32, i32
  }
  func.func @transform_2(%arg0: i32) -> (i32, i32) {
    %c0_i32 = arith.constant 0 : i32
    %c0_i32_0 = arith.constant 0 : i32
    return %arg0, %c0_i32 : i32, i32
  }
  func.func @transform_3(%arg0: i32) -> (i32, i32) {
    %c0_i32 = arith.constant 0 : i32
    %c0_i32_0 = arith.constant 0 : i32
    %c0_i32_1 = arith.constant 0 : i32
    return %c0_i32, %c0_i32_0 : i32, i32
  }
  func.func @transform_4(%arg0: i32) -> (i32, i32) {
    %c0_i32 = arith.constant 0 : i32
    %c0_i32_0 = arith.constant 0 : i32
    %c0_i32_1 = arith.constant 0 : i32
    return %c0_i32, %c0_i32_0 : i32, i32
  }
  func.func @transform_5(%arg0: i32) -> (i32, i32) {
    %c0_i32 = arith.constant 0 : i32
    %c0_i32_0 = arith.constant 0 : i32
    %c0_i32_1 = arith.constant 0 : i32
    return %c0_i32, %c0_i32_0 : i32, i32
  }
  func.func @transform_6(%arg0: i32) -> (i32, i32) {
    %c0_i32 = arith.constant 0 : i32
    %c0_i32_0 = arith.constant 0 : i32
    return %arg0, %c0_i32 : i32, i32
  }
  func.func @transform_7(%arg0: i32) -> (i32, i32) {
    %c0_i32 = arith.constant 0 : i32
    %c0_i32_0 = arith.constant 0 : i32
    return %arg0, %c0_i32 : i32, i32
  }
}

module attributes {stable_mosaic.version = 14 : i64} {
  func.func @_stage_c_body(%arg0: i32, %arg1: memref<2x1000x128xf32, #tpu.memory_space<vmem>>, %arg2: memref<1x128xf32, #tpu.memory_space<vmem>>, %arg3: memref<1000x128xf32, #tpu.memory_space<vmem>>, %arg4: memref<1x1x1000xi32, #tpu.memory_space<vmem>>, %arg5: memref<1x1000x1xi32, #tpu.memory_space<vmem>>, %arg6: memref<128x1xf32, #tpu.memory_space<vmem>>, %arg7: memref<1x1xf32, #tpu.memory_space<vmem>>, %arg8: memref<128x128xf32, #tpu.memory_space<vmem>>, %arg9: memref<128x128xf32, #tpu.memory_space<vmem>>, %arg10: memref<1x128xf32, #tpu.memory_space<vmem>>, %arg11: memref<128x1xf32, #tpu.memory_space<vmem>>, %arg12: memref<1x1xf32, #tpu.memory_space<vmem>>, %arg13: memref<64x1xf32, #tpu.memory_space<vmem>>, %arg14: memref<64x128xf32, #tpu.memory_space<vmem>>, %arg15: memref<64x128xf32, #tpu.memory_space<vmem>>) attributes {dimension_semantics = [#tpu.dimension_semantics<arbitrary>], iteration_bounds = array<i64: 10>, scalar_prefetch = 0 : i64, scratch_operands = 2 : i64, tpu.core_type = #tpu.core_type<tc>, window_params = [{transform_indices = @transform_0, window_bounds = array<i64: 2, 1000, 128>}, {pipeline_mode = #tpu.pipeline_mode<synchronous>, transform_indices = @transform_1, window_bounds = array<i64: 1, 128>}, {transform_indices = @transform_2, window_bounds = array<i64: 1000, 128>}, {transform_indices = @transform_3, window_bounds = array<i64: 1, 1, 1000>}, {transform_indices = @transform_4, window_bounds = array<i64: 1, 1000, 1>}, {pipeline_mode = #tpu.pipeline_mode<synchronous>, transform_indices = @transform_5, window_bounds = array<i64: 128, 1>}, {pipeline_mode = #tpu.pipeline_mode<synchronous>, transform_indices = @transform_6, window_bounds = array<i64: 1, 1>}, {pipeline_mode = #tpu.pipeline_mode<synchronous>, transform_indices = @transform_7, window_bounds = array<i64: 128, 128>}, {pipeline_mode = #tpu.pipeline_mode<synchronous>, transform_indices = @transform_8, window_bounds = array<i64: 128, 128>}, {pipeline_mode = #tpu.pipeline_mode<synchronous>, transform_indices = @transform_9, window_bounds = array<i64: 1, 128>}, {pipeline_mode = #tpu.pipeline_mode<synchronous>, transform_indices = @transform_10, window_bounds = array<i64: 128, 1>}, {pipeline_mode = #tpu.pipeline_mode<synchronous>, transform_indices = @transform_11, window_bounds = array<i64: 1, 1>}, {pipeline_mode = #tpu.pipeline_mode<synchronous>, transform_indices = @transform_12, window_bounds = array<i64: 64, 1>}]} {
    %get3A = arith.constant 0 : index
    %get3A_0 = arith.constant 0 : index
    %get3A_1 = arith.constant 0 : index
    %get3A_2 = vector.load %arg1[%get3A, %get3A_0, %get3A_1] : memref<2x1000x128xf32, #tpu.memory_space<vmem>>, vector<1x1000x128xf32>
    %get3A_3 = vector.shape_cast %get3A_2 : vector<1x1000x128xf32> to vector<1000x128xf32>
    %get3A_4 = arith.constant 1 : index
    %get3A_5 = arith.constant 0 : index
    %get3A_6 = arith.constant 0 : index
    %get3A_7 = vector.load %arg1[%get3A_4, %get3A_5, %get3A_6] : memref<2x1000x128xf32, #tpu.memory_space<vmem>>, vector<1x1000x128xf32>
    %get3A_8 = vector.shape_cast %get3A_7 : vector<1x1000x128xf32> to vector<1000x128xf32>
    %add3A = arith.addf %get3A_3, %get3A_8 : vector<1000x128xf32>
    %get3A_9 = arith.constant 0 : index
    %get3A_10 = arith.constant 0 : index
    %get3A_11 = vector.load %arg2[%get3A_9, %get3A_10] : memref<1x128xf32, #tpu.memory_space<vmem>>, vector<1x128xf32>
    %add3A_12 = vector.broadcast %get3A_11 : vector<1x128xf32> to vector<1000x128xf32>
    %add3A_13 = arith.addf %add3A, %add3A_12 : vector<1000x128xf32>
    %max3A = arith.constant 0.000000e+00 : f32
    %max3A_14 = vector.broadcast %max3A : f32 to vector<1000x128xf32>
    %max3A_15 = arith.maximumf %add3A_13, %max3A_14 : vector<1000x128xf32>
    %get3A_16 = arith.constant 0 : index
    %get3A_17 = arith.constant 0 : index
    %get3A_18 = vector.load %arg3[%get3A_16, %get3A_17] : memref<1000x128xf32, #tpu.memory_space<vmem>>, vector<1000x128xf32>
    %add3A_19 = arith.addf %max3A_15, %get3A_18 : vector<1000x128xf32>
    %get3A_20 = arith.constant 0 : index
    %get3A_21 = arith.constant 0 : index
    %get3A_22 = vector.load %arg6[%get3A_20, %get3A_21] : memref<128x1xf32, #tpu.memory_space<vmem>>, vector<128x1xf32>
    %dot_general3A = arith.constant dense<0.000000e+00> : vector<1000x1xf32>
    %dot_general3A_23 = tpu.matmul %add3A_19, %get3A_22, %dot_general3A {dimension_numbers = #tpu.dot_dimension_numbers<[1], [0], [0], [1], [0, 0, 1, 1], [], []>, transpose_lhs_hint = false} : vector<1000x128xf32>, vector<128x1xf32>, vector<1000x1xf32> -> vector<1000x1xf32>
    %get3A_24 = arith.constant 0 : index
    %get3A_25 = arith.constant 0 : index
    %get3A_26 = vector.load %arg7[%get3A_24, %get3A_25] : memref<1x1xf32, #tpu.memory_space<vmem>>, vector<1x1xf32>
    %add3A_27 = vector.broadcast %get3A_26 : vector<1x1xf32> to vector<1000x1xf32>
    %add3A_28 = arith.addf %dot_general3A_23, %add3A_27 : vector<1000x1xf32>
    %logistic3A = arith.negf %add3A_28 : vector<1000x1xf32>
    %logistic3A_29 = math.exp %logistic3A : vector<1000x1xf32>
    %logistic3A_30 = arith.constant 1.000000e+00 : f32
    %logistic3A_31 = vector.broadcast %logistic3A_30 : f32 to vector<1000x1xf32>
    %logistic3A_32 = arith.addf %logistic3A_31, %logistic3A_29 : vector<1000x1xf32>
    %logistic3A_33 = arith.divf %logistic3A_31, %logistic3A_32 : vector<1000x1xf32>
    %mul3A = vector.broadcast %logistic3A_33 : vector<1000x1xf32> to vector<1000x128xf32>
    %mul3A_34 = arith.mulf %add3A_19, %mul3A : vector<1000x128xf32>
    %get3A_35 = arith.constant 0 : index
    %get3A_36 = arith.constant 0 : index
    %get3A_37 = arith.constant 0 : index
    %get3A_38 = vector.load %arg4[%get3A_35, %get3A_36, %get3A_37] : memref<1x1x1000xi32, #tpu.memory_space<vmem>>, vector<1x1x1000xi32>
    %get3A_39 = vector.shape_cast %get3A_38 : vector<1x1x1000xi32> to vector<1x1000xi32>
    %iota3A = tpu.iota {dimensions = array<i32: 0>} : vector<64x1000xi32>
    %eq3A = vector.broadcast %get3A_39 : vector<1x1000xi32> to vector<64x1000xi32>
    %eq3A_40 = arith.cmpi eq, %iota3A, %eq3A : vector<64x1000xi32>
    %convert_element_type3A = arith.extui %eq3A_40 : vector<64x1000xi1> to vector<64x1000xi32>
    %convert_element_type3A_41 = arith.sitofp %convert_element_type3A : vector<64x1000xi32> to vector<64x1000xf32>
    %dot_general3A_42 = arith.constant dense<0.000000e+00> : vector<64x128xf32>
    %dot_general3A_43 = tpu.matmul %convert_element_type3A_41, %mul3A_34, %dot_general3A_42 {dimension_numbers = #tpu.dot_dimension_numbers<[1], [0], [0], [1], [0, 0, 1, 1], [], []>, transpose_lhs_hint = false} : vector<64x1000xf32>, vector<1000x128xf32>, vector<64x128xf32> -> vector<64x128xf32>
    %get3A_44 = arith.constant 0 : index
    %get3A_45 = arith.constant 0 : index
    %get3A_46 = arith.constant 0 : index
    %get3A_47 = vector.load %arg5[%get3A_44, %get3A_45, %get3A_46] : memref<1x1000x1xi32, #tpu.memory_space<vmem>>, vector<1x1000x1xi32>
    %get3A_48 = vector.shape_cast %get3A_47 : vector<1x1000x1xi32> to vector<1000x1xi32>
    %broadcast_in_dim3A = arith.constant -3.40282347E+38 : f32
    %broadcast_in_dim3A_49 = vector.broadcast %broadcast_in_dim3A : f32 to vector<1x128xf32>
    %slice3A = vector.extract_strided_slice %add3A_19 {offsets = [0, 0], sizes = [999, 128], strides = [1, 1]} : vector<1000x128xf32> to vector<999x128xf32>
    %concatenate3A = tpu.concatenate %broadcast_in_dim3A_49, %slice3A in 0 : vector<1x128xf32>, vector<999x128xf32> -> vector<1000x128xf32>
    %broadcast_in_dim3A_50 = arith.constant -1 : i32
    %broadcast_in_dim3A_51 = vector.broadcast %broadcast_in_dim3A_50 : i32 to vector<1x1xi32>
    %slice3A_52 = vector.extract_strided_slice %get3A_48 {offsets = [0, 0], sizes = [999, 1], strides = [1, 1]} : vector<1000x1xi32> to vector<999x1xi32>
    %concatenate3A_53 = tpu.concatenate %broadcast_in_dim3A_51, %slice3A_52 in 0 : vector<1x1xi32>, vector<999x1xi32> -> vector<1000x1xi32>
    %eq3A_54 = arith.cmpi eq, %concatenate3A_53, %get3A_48 : vector<1000x1xi32>
    %max3A_55 = arith.maximumf %add3A_19, %concatenate3A : vector<1000x128xf32>
    %broadcast_in_dim3A_56 = vector.shape_cast %eq3A_54 : vector<1000x1xi1> to vector<1000x1xi1>
    %broadcast_in_dim3A_57 = vector.broadcast %broadcast_in_dim3A_56 : vector<1000x1xi1> to vector<1000x128xi1>
    %select_n3A = arith.select %broadcast_in_dim3A_57, %max3A_55, %add3A_19 : vector<1000x128xi1>, vector<1000x128xf32>
    %broadcast_in_dim3A_58 = arith.constant -3.40282347E+38 : f32
    %broadcast_in_dim3A_59 = vector.broadcast %broadcast_in_dim3A_58 : f32 to vector<2x128xf32>
    %slice3A_60 = vector.extract_strided_slice %select_n3A {offsets = [0, 0], sizes = [998, 128], strides = [1, 1]} : vector<1000x128xf32> to vector<998x128xf32>
    %concatenate3A_61 = tpu.concatenate %broadcast_in_dim3A_59, %slice3A_60 in 0 : vector<2x128xf32>, vector<998x128xf32> -> vector<1000x128xf32>
    %broadcast_in_dim3A_62 = arith.constant -1 : i32
    %broadcast_in_dim3A_63 = vector.broadcast %broadcast_in_dim3A_62 : i32 to vector<2x1xi32>
    %slice3A_64 = vector.extract_strided_slice %get3A_48 {offsets = [0, 0], sizes = [998, 1], strides = [1, 1]} : vector<1000x1xi32> to vector<998x1xi32>
    %concatenate3A_65 = tpu.concatenate %broadcast_in_dim3A_63, %slice3A_64 in 0 : vector<2x1xi32>, vector<998x1xi32> -> vector<1000x1xi32>
    %eq3A_66 = arith.cmpi eq, %concatenate3A_65, %get3A_48 : vector<1000x1xi32>
    %max3A_67 = arith.maximumf %select_n3A, %concatenate3A_61 : vector<1000x128xf32>
    %broadcast_in_dim3A_68 = vector.shape_cast %eq3A_66 : vector<1000x1xi1> to vector<1000x1xi1>
    %broadcast_in_dim3A_69 = vector.broadcast %broadcast_in_dim3A_68 : vector<1000x1xi1> to vector<1000x128xi1>
    %select_n3A_70 = arith.select %broadcast_in_dim3A_69, %max3A_67, %select_n3A : vector<1000x128xi1>, vector<1000x128xf32>
    %broadcast_in_dim3A_71 = arith.constant -3.40282347E+38 : f32
    %broadcast_in_dim3A_72 = vector.broadcast %broadcast_in_dim3A_71 : f32 to vector<4x128xf32>
    %slice3A_73 = vector.extract_strided_slice %select_n3A_70 {offsets = [0, 0], sizes = [996, 128], strides = [1, 1]} : vector<1000x128xf32> to vector<996x128xf32>
    %concatenate3A_74 = tpu.concatenate %broadcast_in_dim3A_72, %slice3A_73 in 0 : vector<4x128xf32>, vector<996x128xf32> -> vector<1000x128xf32>
    %broadcast_in_dim3A_75 = arith.constant -1 : i32
    %broadcast_in_dim3A_76 = vector.broadcast %broadcast_in_dim3A_75 : i32 to vector<4x1xi32>
    %slice3A_77 = vector.extract_strided_slice %get3A_48 {offsets = [0, 0], sizes = [996, 1], strides = [1, 1]} : vector<1000x1xi32> to vector<996x1xi32>
    %concatenate3A_78 = tpu.concatenate %broadcast_in_dim3A_76, %slice3A_77 in 0 : vector<4x1xi32>, vector<996x1xi32> -> vector<1000x1xi32>
    %eq3A_79 = arith.cmpi eq, %concatenate3A_78, %get3A_48 : vector<1000x1xi32>
    %max3A_80 = arith.maximumf %select_n3A_70, %concatenate3A_74 : vector<1000x128xf32>
    %broadcast_in_dim3A_81 = vector.shape_cast %eq3A_79 : vector<1000x1xi1> to vector<1000x1xi1>
    %broadcast_in_dim3A_82 = vector.broadcast %broadcast_in_dim3A_81 : vector<1000x1xi1> to vector<1000x128xi1>
    %select_n3A_83 = arith.select %broadcast_in_dim3A_82, %max3A_80, %select_n3A_70 : vector<1000x128xi1>, vector<1000x128xf32>
    %broadcast_in_dim3A_84 = arith.constant -3.40282347E+38 : f32
    %broadcast_in_dim3A_85 = vector.broadcast %broadcast_in_dim3A_84 : f32 to vector<8x128xf32>
    %slice3A_86 = vector.extract_strided_slice %select_n3A_83 {offsets = [0, 0], sizes = [992, 128], strides = [1, 1]} : vector<1000x128xf32> to vector<992x128xf32>
    %concatenate3A_87 = tpu.concatenate %broadcast_in_dim3A_85, %slice3A_86 in 0 : vector<8x128xf32>, vector<992x128xf32> -> vector<1000x128xf32>
    %broadcast_in_dim3A_88 = arith.constant -1 : i32
    %broadcast_in_dim3A_89 = vector.broadcast %broadcast_in_dim3A_88 : i32 to vector<8x1xi32>
    %slice3A_90 = vector.extract_strided_slice %get3A_48 {offsets = [0, 0], sizes = [992, 1], strides = [1, 1]} : vector<1000x1xi32> to vector<992x1xi32>
    %concatenate3A_91 = tpu.concatenate %broadcast_in_dim3A_89, %slice3A_90 in 0 : vector<8x1xi32>, vector<992x1xi32> -> vector<1000x1xi32>
    %eq3A_92 = arith.cmpi eq, %concatenate3A_91, %get3A_48 : vector<1000x1xi32>
    %max3A_93 = arith.maximumf %select_n3A_83, %concatenate3A_87 : vector<1000x128xf32>
    %broadcast_in_dim3A_94 = vector.shape_cast %eq3A_92 : vector<1000x1xi1> to vector<1000x1xi1>
    %broadcast_in_dim3A_95 = vector.broadcast %broadcast_in_dim3A_94 : vector<1000x1xi1> to vector<1000x128xi1>
    %select_n3A_96 = arith.select %broadcast_in_dim3A_95, %max3A_93, %select_n3A_83 : vector<1000x128xi1>, vector<1000x128xf32>
    %broadcast_in_dim3A_97 = arith.constant -3.40282347E+38 : f32
    %broadcast_in_dim3A_98 = vector.broadcast %broadcast_in_dim3A_97 : f32 to vector<16x128xf32>
    %slice3A_99 = vector.extract_strided_slice %select_n3A_96 {offsets = [0, 0], sizes = [984, 128], strides = [1, 1]} : vector<1000x128xf32> to vector<984x128xf32>
    %concatenate3A_100 = tpu.concatenate %broadcast_in_dim3A_98, %slice3A_99 in 0 : vector<16x128xf32>, vector<984x128xf32> -> vector<1000x128xf32>
    %broadcast_in_dim3A_101 = arith.constant -1 : i32
    %broadcast_in_dim3A_102 = vector.broadcast %broadcast_in_dim3A_101 : i32 to vector<16x1xi32>
    %slice3A_103 = vector.extract_strided_slice %get3A_48 {offsets = [0, 0], sizes = [984, 1], strides = [1, 1]} : vector<1000x1xi32> to vector<984x1xi32>
    %concatenate3A_104 = tpu.concatenate %broadcast_in_dim3A_102, %slice3A_103 in 0 : vector<16x1xi32>, vector<984x1xi32> -> vector<1000x1xi32>
    %eq3A_105 = arith.cmpi eq, %concatenate3A_104, %get3A_48 : vector<1000x1xi32>
    %max3A_106 = arith.maximumf %select_n3A_96, %concatenate3A_100 : vector<1000x128xf32>
    %broadcast_in_dim3A_107 = vector.shape_cast %eq3A_105 : vector<1000x1xi1> to vector<1000x1xi1>
    %broadcast_in_dim3A_108 = vector.broadcast %broadcast_in_dim3A_107 : vector<1000x1xi1> to vector<1000x128xi1>
    %select_n3A_109 = arith.select %broadcast_in_dim3A_108, %max3A_106, %select_n3A_96 : vector<1000x128xi1>, vector<1000x128xf32>
    %broadcast_in_dim3A_110 = arith.constant -3.40282347E+38 : f32
    %broadcast_in_dim3A_111 = vector.broadcast %broadcast_in_dim3A_110 : f32 to vector<32x128xf32>
    %slice3A_112 = vector.extract_strided_slice %select_n3A_109 {offsets = [0, 0], sizes = [968, 128], strides = [1, 1]} : vector<1000x128xf32> to vector<968x128xf32>
    %concatenate3A_113 = tpu.concatenate %broadcast_in_dim3A_111, %slice3A_112 in 0 : vector<32x128xf32>, vector<968x128xf32> -> vector<1000x128xf32>
    %broadcast_in_dim3A_114 = arith.constant -1 : i32
    %broadcast_in_dim3A_115 = vector.broadcast %broadcast_in_dim3A_114 : i32 to vector<32x1xi32>
    %slice3A_116 = vector.extract_strided_slice %get3A_48 {offsets = [0, 0], sizes = [968, 1], strides = [1, 1]} : vector<1000x1xi32> to vector<968x1xi32>
    %concatenate3A_117 = tpu.concatenate %broadcast_in_dim3A_115, %slice3A_116 in 0 : vector<32x1xi32>, vector<968x1xi32> -> vector<1000x1xi32>
    %eq3A_118 = arith.cmpi eq, %concatenate3A_117, %get3A_48 : vector<1000x1xi32>
    %max3A_119 = arith.maximumf %select_n3A_109, %concatenate3A_113 : vector<1000x128xf32>
    %broadcast_in_dim3A_120 = vector.shape_cast %eq3A_118 : vector<1000x1xi1> to vector<1000x1xi1>
    %broadcast_in_dim3A_121 = vector.broadcast %broadcast_in_dim3A_120 : vector<1000x1xi1> to vector<1000x128xi1>
    %select_n3A_122 = arith.select %broadcast_in_dim3A_121, %max3A_119, %select_n3A_109 : vector<1000x128xi1>, vector<1000x128xf32>
    %broadcast_in_dim3A_123 = arith.constant -3.40282347E+38 : f32
    %broadcast_in_dim3A_124 = vector.broadcast %broadcast_in_dim3A_123 : f32 to vector<64x128xf32>
    %slice3A_125 = vector.extract_strided_slice %select_n3A_122 {offsets = [0, 0], sizes = [936, 128], strides = [1, 1]} : vector<1000x128xf32> to vector<936x128xf32>
    %concatenate3A_126 = tpu.concatenate %broadcast_in_dim3A_124, %slice3A_125 in 0 : vector<64x128xf32>, vector<936x128xf32> -> vector<1000x128xf32>
    %broadcast_in_dim3A_127 = arith.constant -1 : i32
    %broadcast_in_dim3A_128 = vector.broadcast %broadcast_in_dim3A_127 : i32 to vector<64x1xi32>
    %slice3A_129 = vector.extract_strided_slice %get3A_48 {offsets = [0, 0], sizes = [936, 1], strides = [1, 1]} : vector<1000x1xi32> to vector<936x1xi32>
    %concatenate3A_130 = tpu.concatenate %broadcast_in_dim3A_128, %slice3A_129 in 0 : vector<64x1xi32>, vector<936x1xi32> -> vector<1000x1xi32>
    %eq3A_131 = arith.cmpi eq, %concatenate3A_130, %get3A_48 : vector<1000x1xi32>
    %max3A_132 = arith.maximumf %select_n3A_122, %concatenate3A_126 : vector<1000x128xf32>
    %broadcast_in_dim3A_133 = vector.shape_cast %eq3A_131 : vector<1000x1xi1> to vector<1000x1xi1>
    %broadcast_in_dim3A_134 = vector.broadcast %broadcast_in_dim3A_133 : vector<1000x1xi1> to vector<1000x128xi1>
    %select_n3A_135 = arith.select %broadcast_in_dim3A_134, %max3A_132, %select_n3A_122 : vector<1000x128xi1>, vector<1000x128xf32>
    %broadcast_in_dim3A_136 = arith.constant -3.40282347E+38 : f32
    %broadcast_in_dim3A_137 = vector.broadcast %broadcast_in_dim3A_136 : f32 to vector<128x128xf32>
    %slice3A_138 = vector.extract_strided_slice %select_n3A_135 {offsets = [0, 0], sizes = [872, 128], strides = [1, 1]} : vector<1000x128xf32> to vector<872x128xf32>
    %concatenate3A_139 = tpu.concatenate %broadcast_in_dim3A_137, %slice3A_138 in 0 : vector<128x128xf32>, vector<872x128xf32> -> vector<1000x128xf32>
    %broadcast_in_dim3A_140 = arith.constant -1 : i32
    %broadcast_in_dim3A_141 = vector.broadcast %broadcast_in_dim3A_140 : i32 to vector<128x1xi32>
    %slice3A_142 = vector.extract_strided_slice %get3A_48 {offsets = [0, 0], sizes = [872, 1], strides = [1, 1]} : vector<1000x1xi32> to vector<872x1xi32>
    %concatenate3A_143 = tpu.concatenate %broadcast_in_dim3A_141, %slice3A_142 in 0 : vector<128x1xi32>, vector<872x1xi32> -> vector<1000x1xi32>
    %eq3A_144 = arith.cmpi eq, %concatenate3A_143, %get3A_48 : vector<1000x1xi32>
    %max3A_145 = arith.maximumf %select_n3A_135, %concatenate3A_139 : vector<1000x128xf32>
    %broadcast_in_dim3A_146 = vector.shape_cast %eq3A_144 : vector<1000x1xi1> to vector<1000x1xi1>
    %broadcast_in_dim3A_147 = vector.broadcast %broadcast_in_dim3A_146 : vector<1000x1xi1> to vector<1000x128xi1>
    %select_n3A_148 = arith.select %broadcast_in_dim3A_147, %max3A_145, %select_n3A_135 : vector<1000x128xi1>, vector<1000x128xf32>
    %broadcast_in_dim3A_149 = arith.constant -3.40282347E+38 : f32
    %broadcast_in_dim3A_150 = vector.broadcast %broadcast_in_dim3A_149 : f32 to vector<256x128xf32>
    %slice3A_151 = vector.extract_strided_slice %select_n3A_148 {offsets = [0, 0], sizes = [744, 128], strides = [1, 1]} : vector<1000x128xf32> to vector<744x128xf32>
    %concatenate3A_152 = tpu.concatenate %broadcast_in_dim3A_150, %slice3A_151 in 0 : vector<256x128xf32>, vector<744x128xf32> -> vector<1000x128xf32>
    %broadcast_in_dim3A_153 = arith.constant -1 : i32
    %broadcast_in_dim3A_154 = vector.broadcast %broadcast_in_dim3A_153 : i32 to vector<256x1xi32>
    %slice3A_155 = vector.extract_strided_slice %get3A_48 {offsets = [0, 0], sizes = [744, 1], strides = [1, 1]} : vector<1000x1xi32> to vector<744x1xi32>
    %concatenate3A_156 = tpu.concatenate %broadcast_in_dim3A_154, %slice3A_155 in 0 : vector<256x1xi32>, vector<744x1xi32> -> vector<1000x1xi32>
    %eq3A_157 = arith.cmpi eq, %concatenate3A_156, %get3A_48 : vector<1000x1xi32>
    %max3A_158 = arith.maximumf %select_n3A_148, %concatenate3A_152 : vector<1000x128xf32>
    %broadcast_in_dim3A_159 = vector.shape_cast %eq3A_157 : vector<1000x1xi1> to vector<1000x1xi1>
    %broadcast_in_dim3A_160 = vector.broadcast %broadcast_in_dim3A_159 : vector<1000x1xi1> to vector<1000x128xi1>
    %select_n3A_161 = arith.select %broadcast_in_dim3A_160, %max3A_158, %select_n3A_148 : vector<1000x128xi1>, vector<1000x128xf32>
    %broadcast_in_dim3A_162 = arith.constant -3.40282347E+38 : f32
    %broadcast_in_dim3A_163 = vector.broadcast %broadcast_in_dim3A_162 : f32 to vector<512x128xf32>
    %slice3A_164 = vector.extract_strided_slice %select_n3A_161 {offsets = [0, 0], sizes = [488, 128], strides = [1, 1]} : vector<1000x128xf32> to vector<488x128xf32>
    %concatenate3A_165 = tpu.concatenate %broadcast_in_dim3A_163, %slice3A_164 in 0 : vector<512x128xf32>, vector<488x128xf32> -> vector<1000x128xf32>
    %broadcast_in_dim3A_166 = arith.constant -1 : i32
    %broadcast_in_dim3A_167 = vector.broadcast %broadcast_in_dim3A_166 : i32 to vector<512x1xi32>
    %slice3A_168 = vector.extract_strided_slice %get3A_48 {offsets = [0, 0], sizes = [488, 1], strides = [1, 1]} : vector<1000x1xi32> to vector<488x1xi32>
    %concatenate3A_169 = tpu.concatenate %broadcast_in_dim3A_167, %slice3A_168 in 0 : vector<512x1xi32>, vector<488x1xi32> -> vector<1000x1xi32>
    %eq3A_170 = arith.cmpi eq, %concatenate3A_169, %get3A_48 : vector<1000x1xi32>
    %max3A_171 = arith.maximumf %select_n3A_161, %concatenate3A_165 : vector<1000x128xf32>
    %broadcast_in_dim3A_172 = vector.shape_cast %eq3A_170 : vector<1000x1xi1> to vector<1000x1xi1>
    %broadcast_in_dim3A_173 = vector.broadcast %broadcast_in_dim3A_172 : vector<1000x1xi1> to vector<1000x128xi1>
    %select_n3A_174 = arith.select %broadcast_in_dim3A_173, %max3A_171, %select_n3A_161 : vector<1000x128xi1>, vector<1000x128xf32>
    %slice3A_175 = vector.extract_strided_slice %get3A_39 {offsets = [0, 1], sizes = [1, 999], strides = [1, 1]} : vector<1x1000xi32> to vector<1x999xi32>
    %broadcast_in_dim3A_176 = arith.constant -1 : i32
    %broadcast_in_dim3A_177 = vector.broadcast %broadcast_in_dim3A_176 : i32 to vector<1x1xi32>
    %concatenate3A_178 = tpu.concatenate %slice3A_175, %broadcast_in_dim3A_177 in 1 : vector<1x999xi32>, vector<1x1xi32> -> vector<1x1000xi32>
    %ne3A = arith.cmpi ne, %get3A_39, %concatenate3A_178 : vector<1x1000xi32>
    %convert_element_type3A_179 = arith.extui %ne3A : vector<1x1000xi1> to vector<1x1000xi32>
    %convert_element_type3A_180 = arith.sitofp %convert_element_type3A_179 : vector<1x1000xi32> to vector<1x1000xf32>
    %mul3A_181 = vector.broadcast %convert_element_type3A_180 : vector<1x1000xf32> to vector<64x1000xf32>
    %mul3A_182 = arith.mulf %convert_element_type3A_41, %mul3A_181 : vector<64x1000xf32>
    %broadcast_in_dim3A_183 = arith.constant 1.000000e+00 : f32
    %broadcast_in_dim3A_184 = vector.broadcast %broadcast_in_dim3A_183 : f32 to vector<1000x1xf32>
    %dot_general3A_185 = arith.constant dense<0.000000e+00> : vector<64x1xf32>
    %dot_general3A_186 = tpu.matmul %mul3A_182, %broadcast_in_dim3A_184, %dot_general3A_185 {dimension_numbers = #tpu.dot_dimension_numbers<[1], [0], [0], [1], [0, 0, 1, 1], [], []>, transpose_lhs_hint = false} : vector<64x1000xf32>, vector<1000x1xf32>, vector<64x1xf32> -> vector<64x1xf32>
    %dot_general3A_187 = arith.constant dense<0.000000e+00> : vector<64x128xf32>
    %dot_general3A_188 = tpu.matmul %mul3A_182, %select_n3A_174, %dot_general3A_187 {dimension_numbers = #tpu.dot_dimension_numbers<[1], [0], [0], [1], [0, 0, 1, 1], [], []>, transpose_lhs_hint = false} : vector<64x1000xf32>, vector<1000x128xf32>, vector<64x128xf32> -> vector<64x128xf32>
    %sub3A = arith.constant 1.000000e+00 : f32
    %sub3A_189 = vector.broadcast %sub3A : f32 to vector<64x1xf32>
    %sub3A_190 = arith.subf %dot_general3A_186, %sub3A_189 : vector<64x1xf32>
    %mul3A_191 = arith.constant 3.000000e+38 : f32
    %mul3A_192 = vector.broadcast %mul3A_191 : f32 to vector<64x1xf32>
    %mul3A_193 = arith.mulf %sub3A_190, %mul3A_192 : vector<64x1xf32>
    %add3A_194 = vector.broadcast %mul3A_193 : vector<64x1xf32> to vector<64x128xf32>
    %add3A_195 = arith.addf %dot_general3A_188, %add3A_194 : vector<64x128xf32>
    %eq3A_196 = arith.constant 0 : i32
    %eq3A_197 = arith.cmpi eq, %arg0, %eq3A_196 : i32
    %convert_element_type3A_198 = arith.extui %eq3A_197 : i1 to i32
    %cond3A = arith.constant 0 : i32
    %cond3A_199 = arith.cmpi ne, %convert_element_type3A_198, %cond3A : i32
    scf.if %cond3A_199 {
      %broadcast_in_dim3A_218 = arith.constant 0.000000e+00 : f32
      %broadcast_in_dim3A_219 = vector.broadcast %broadcast_in_dim3A_218 : f32 to vector<64x128xf32>
      %swap3A_220 = arith.constant 0 : index
      %swap3A_221 = arith.constant 0 : index
      %swap3A_222 = vector.load %arg14[%swap3A_220, %swap3A_221] : memref<64x128xf32, #tpu.memory_space<vmem>>, vector<64x128xf32>
      tpu.vector_store %arg14[%swap3A_220, %swap3A_221], %broadcast_in_dim3A_219 {strides = array<i32>} : memref<64x128xf32, #tpu.memory_space<vmem>>, vector<64x128xf32>,
      %broadcast_in_dim3A_223 = arith.constant -3.40282347E+38 : f32
      %broadcast_in_dim3A_224 = vector.broadcast %broadcast_in_dim3A_223 : f32 to vector<64x128xf32>
      %swap3A_225 = arith.constant 0 : index
      %swap3A_226 = arith.constant 0 : index
      %swap3A_227 = vector.load %arg15[%swap3A_225, %swap3A_226] : memref<64x128xf32, #tpu.memory_space<vmem>>, vector<64x128xf32>
      tpu.vector_store %arg15[%swap3A_225, %swap3A_226], %broadcast_in_dim3A_224 {strides = array<i32>} : memref<64x128xf32, #tpu.memory_space<vmem>>, vector<64x128xf32>,
    } else {
    }
    %get3A_200 = arith.constant 0 : index
    %get3A_201 = arith.constant 0 : index
    %get3A_202 = vector.load %arg14[%get3A_200, %get3A_201] : memref<64x128xf32, #tpu.memory_space<vmem>>, vector<64x128xf32>
    %add3A_203 = arith.addf %get3A_202, %dot_general3A_43 : vector<64x128xf32>
    %swap3A = arith.constant 0 : index
    %swap3A_204 = arith.constant 0 : index
    %swap3A_205 = vector.load %arg14[%swap3A, %swap3A_204] : memref<64x128xf32, #tpu.memory_space<vmem>>, vector<64x128xf32>
    tpu.vector_store %arg14[%swap3A, %swap3A_204], %add3A_203 {strides = array<i32>} : memref<64x128xf32, #tpu.memory_space<vmem>>, vector<64x128xf32>,
    %get3A_206 = arith.constant 0 : index
    %get3A_207 = arith.constant 0 : index
    %get3A_208 = vector.load %arg15[%get3A_206, %get3A_207] : memref<64x128xf32, #tpu.memory_space<vmem>>, vector<64x128xf32>
    %max3A_209 = arith.maximumf %get3A_208, %add3A_195 : vector<64x128xf32>
    %swap3A_210 = arith.constant 0 : index
    %swap3A_211 = arith.constant 0 : index
    %swap3A_212 = vector.load %arg15[%swap3A_210, %swap3A_211] : memref<64x128xf32, #tpu.memory_space<vmem>>, vector<64x128xf32>
    tpu.vector_store %arg15[%swap3A_210, %swap3A_211], %max3A_209 {strides = array<i32>} : memref<64x128xf32, #tpu.memory_space<vmem>>, vector<64x128xf32>,
    %eq3A_213 = arith.constant 9 : i32
    %eq3A_214 = arith.cmpi eq, %arg0, %eq3A_213 : i32
    %convert_element_type3A_215 = arith.extui %eq3A_214 : i1 to i32
    %cond3A_216 = arith.constant 0 : i32
    %cond3A_217 = arith.cmpi ne, %convert_element_type3A_215, %cond3A_216 : i32
    scf.if %cond3A_217 {
      %get3A_218 = arith.constant 0 : index
      %get3A_219 = arith.constant 0 : index
      %get3A_220 = vector.load %arg14[%get3A_218, %get3A_219] : memref<64x128xf32, #tpu.memory_space<vmem>>, vector<64x128xf32>
      %get3A_221 = arith.constant 0 : index
      %get3A_222 = arith.constant 0 : index
      %get3A_223 = vector.load %arg8[%get3A_221, %get3A_222] : memref<128x128xf32, #tpu.memory_space<vmem>>, vector<128x128xf32>
      %dot_general3A_224 = arith.constant dense<0.000000e+00> : vector<64x128xf32>
      %dot_general3A_225 = tpu.matmul %get3A_220, %get3A_223, %dot_general3A_224 {dimension_numbers = #tpu.dot_dimension_numbers<[1], [0], [0], [1], [0, 0, 1, 1], [], []>, transpose_lhs_hint = false} : vector<64x128xf32>, vector<128x128xf32>, vector<64x128xf32> -> vector<64x128xf32>
      %get3A_226 = arith.constant 0 : index
      %get3A_227 = arith.constant 0 : index
      %get3A_228 = vector.load %arg15[%get3A_226, %get3A_227] : memref<64x128xf32, #tpu.memory_space<vmem>>, vector<64x128xf32>
      %get3A_229 = arith.constant 0 : index
      %get3A_230 = arith.constant 0 : index
      %get3A_231 = vector.load %arg9[%get3A_229, %get3A_230] : memref<128x128xf32, #tpu.memory_space<vmem>>, vector<128x128xf32>
      %dot_general3A_232 = arith.constant dense<0.000000e+00> : vector<64x128xf32>
      %dot_general3A_233 = tpu.matmul %get3A_228, %get3A_231, %dot_general3A_232 {dimension_numbers = #tpu.dot_dimension_numbers<[1], [0], [0], [1], [0, 0, 1, 1], [], []>, transpose_lhs_hint = false} : vector<64x128xf32>, vector<128x128xf32>, vector<64x128xf32> -> vector<64x128xf32>
      %add3A_234 = arith.addf %dot_general3A_225, %dot_general3A_233 : vector<64x128xf32>
      %get3A_235 = arith.constant 0 : index
      %get3A_236 = arith.constant 0 : index
      %get3A_237 = vector.load %arg10[%get3A_235, %get3A_236] : memref<1x128xf32, #tpu.memory_space<vmem>>, vector<1x128xf32>
      %add3A_238 = vector.broadcast %get3A_237 : vector<1x128xf32> to vector<64x128xf32>
      %add3A_239 = arith.addf %add3A_234, %add3A_238 : vector<64x128xf32>
      %max3A_240 = arith.constant 0.000000e+00 : f32
      %max3A_241 = vector.broadcast %max3A_240 : f32 to vector<64x128xf32>
      %max3A_242 = arith.maximumf %add3A_239, %max3A_241 : vector<64x128xf32>
      %get3A_243 = arith.constant 0 : index
      %get3A_244 = arith.constant 0 : index
      %get3A_245 = vector.load %arg11[%get3A_243, %get3A_244] : memref<128x1xf32, #tpu.memory_space<vmem>>, vector<128x1xf32>
      %dot_general3A_246 = arith.constant dense<0.000000e+00> : vector<64x1xf32>
      %dot_general3A_247 = tpu.matmul %max3A_242, %get3A_245, %dot_general3A_246 {dimension_numbers = #tpu.dot_dimension_numbers<[1], [0], [0], [1], [0, 0, 1, 1], [], []>, transpose_lhs_hint = false} : vector<64x128xf32>, vector<128x1xf32>, vector<64x1xf32> -> vector<64x1xf32>
      %get3A_248 = arith.constant 0 : index
      %get3A_249 = arith.constant 0 : index
      %get3A_250 = vector.load %arg12[%get3A_248, %get3A_249] : memref<1x1xf32, #tpu.memory_space<vmem>>, vector<1x1xf32>
      %add3A_251 = vector.broadcast %get3A_250 : vector<1x1xf32> to vector<64x1xf32>
      %add3A_252 = arith.addf %dot_general3A_247, %add3A_251 : vector<64x1xf32>
      %swap3A_253 = arith.constant 0 : index
      %swap3A_254 = arith.constant 0 : index
      %swap3A_255 = vector.load %arg13[%swap3A_253, %swap3A_254] : memref<64x1xf32, #tpu.memory_space<vmem>>, vector<64x1xf32>
      tpu.vector_store %arg13[%swap3A_253, %swap3A_254], %add3A_252 {strides = array<i32>} : memref<64x1xf32, #tpu.memory_space<vmem>>, vector<64x1xf32>,
    } else {
    }
    return
  }
  func.func @transform_0(%arg0: i32) -> (i32, i32, i32) {
    %c0_i32 = arith.constant 0 : i32
    %c0_i32_0 = arith.constant 0 : i32
    %c0_i32_1 = arith.constant 0 : i32
    return %c0_i32, %arg0, %c0_i32_0 : i32, i32, i32
  }
  func.func @transform_1(%arg0: i32) -> (i32, i32) {
    %c0_i32 = arith.constant 0 : i32
    %c0_i32_0 = arith.constant 0 : i32
    %c0_i32_1 = arith.constant 0 : i32
    return %c0_i32, %c0_i32_0 : i32, i32
  }
  func.func @transform_2(%arg0: i32) -> (i32, i32) {
    %c0_i32 = arith.constant 0 : i32
    %c0_i32_0 = arith.constant 0 : i32
    return %arg0, %c0_i32 : i32, i32
  }
  func.func @transform_3(%arg0: i32) -> (i32, i32, i32) {
    %c0_i32 = arith.constant 0 : i32
    %c0_i32_0 = arith.constant 0 : i32
    %c0_i32_1 = arith.constant 0 : i32
    return %arg0, %c0_i32, %c0_i32_0 : i32, i32, i32
  }
  func.func @transform_4(%arg0: i32) -> (i32, i32, i32) {
    %c0_i32 = arith.constant 0 : i32
    %c0_i32_0 = arith.constant 0 : i32
    %c0_i32_1 = arith.constant 0 : i32
    return %arg0, %c0_i32, %c0_i32_0 : i32, i32, i32
  }
  func.func @transform_5(%arg0: i32) -> (i32, i32) {
    %c0_i32 = arith.constant 0 : i32
    %c0_i32_0 = arith.constant 0 : i32
    %c0_i32_1 = arith.constant 0 : i32
    return %c0_i32, %c0_i32_0 : i32, i32
  }
  func.func @transform_6(%arg0: i32) -> (i32, i32) {
    %c0_i32 = arith.constant 0 : i32
    %c0_i32_0 = arith.constant 0 : i32
    %c0_i32_1 = arith.constant 0 : i32
    return %c0_i32, %c0_i32_0 : i32, i32
  }
  func.func @transform_7(%arg0: i32) -> (i32, i32) {
    %c0_i32 = arith.constant 0 : i32
    %c0_i32_0 = arith.constant 0 : i32
    %c0_i32_1 = arith.constant 0 : i32
    return %c0_i32, %c0_i32_0 : i32, i32
  }
  func.func @transform_8(%arg0: i32) -> (i32, i32) {
    %c0_i32 = arith.constant 0 : i32
    %c0_i32_0 = arith.constant 0 : i32
    %c0_i32_1 = arith.constant 0 : i32
    return %c0_i32, %c0_i32_0 : i32, i32
  }
  func.func @transform_9(%arg0: i32) -> (i32, i32) {
    %c0_i32 = arith.constant 0 : i32
    %c0_i32_0 = arith.constant 0 : i32
    %c0_i32_1 = arith.constant 0 : i32
    return %c0_i32, %c0_i32_0 : i32, i32
  }
  func.func @transform_10(%arg0: i32) -> (i32, i32) {
    %c0_i32 = arith.constant 0 : i32
    %c0_i32_0 = arith.constant 0 : i32
    %c0_i32_1 = arith.constant 0 : i32
    return %c0_i32, %c0_i32_0 : i32, i32
  }
  func.func @transform_11(%arg0: i32) -> (i32, i32) {
    %c0_i32 = arith.constant 0 : i32
    %c0_i32_0 = arith.constant 0 : i32
    %c0_i32_1 = arith.constant 0 : i32
    return %c0_i32, %c0_i32_0 : i32, i32
  }
  func.func @transform_12(%arg0: i32) -> (i32, i32) {
    %c0_i32 = arith.constant 0 : i32
    %c0_i32_0 = arith.constant 0 : i32
    %c0_i32_1 = arith.constant 0 : i32
    return %c0_i32, %c0_i32_0 : i32, i32
  }
}

</mosaic_0001>

<sc_bundles>
// kernel: gcn_edge_scatter.4.cloned.1.call-start
scs
__scs_entry_jumppad:
0x0: {  	(pc) =	sbr.rel $0x88, $3  }
0x1: {  	(tag) =	ssettag $0x0;
	lr =	simm.s32 $0x1  }
0x2: {  	[smem:$0x3F90] =	sst lr;
	_ =	strace $0xD0000000  }
0x3: {  	_ = 	snop  }
0x4: {  	_ = 	snop  }
0x5: {  	_ = 	snop  }
0x6: {  	_ = 	snop  }
0x7: {  	_ = 	snop  }
__scs_overlays_trampoline_lowered:
0x8: {  	[smem:$0x3F9F] =	sst s0  }
0x9: {  	[smem:$0x3FA0] =	sst s1  }
0xa: {  	[smem:$0x3FA1] =	sst s2  }
0xb: {  	[smem:$0x3FA2] =	sst s3  }
0xc: {  	[smem:$0x3FA3] =	sst s4  }
0xd: {  	[smem:$0x3FA4] =	sst s5  }
0xe: {  	[smem:$0x3FA5] =	sst s6  }
0xf: {  	[smem:$0x3FA6] =	sst s7  }
0x10: {  	[smem:$0x3FA7] =	sst s8  }
0x11: {  	[smem:$0x3FA8] =	sst s9;
	s0 =	simm.s32 @!p0 $0x0  }
0x12: {  	s1 =	sld [smem:$0x3F8E];
	s0 =	simm.s32 @p0 $0x1  }
0x13: {  	[smem:$0x3FA9] =	sst s0;
	s0 =	simm.s32 @!p1 $0x0  }
0x14: {  	s2 =	sld [smem:$0x3F8D];
	s0 =	simm.s32 @p1 $0x1  }
0x15: {  	[smem:$0x3FAA] =	sst s0;
	s0 =	simm.s32 @!p2 $0x0  }
0x16: {  	s3 =	sld [smem:$0x3FDB];
	s0 =	simm.s32 @p2 $0x1  }
0x17: {  	s4 =	simm.s32 $0x1BF5;
	[smem:$0x3FAC] =	sst s0  }
0x18: {  	s0 =	sld [smem:$0x3F8F];
	_ =	swait.ge [sflag:s4], $0x0  }
0x19: {  	s7 =	sld [smem:$0x3F90]  }
0x1a: {  	s8 =	sadd.s32 $0xFFFFE003, lr  }
0x1b: {  	s9 =	sadd.s32 $0xFFFFFEF7, lr;
	s5 =	simm.s32 $0xFFFFFFFF;
	p2 =	slt.u32 s8, $0xFFFFF086  }
0x1c: {  	p1 =	slt.u32 s9, $0xF7A;
	s5 =	simm.s32 @!p2 $0x0  }
0x1d: {  	s5 =	simm.s32 @p1 $0x1;
	p0 =	seq.s32 s7, s2  }
0x1e: {  	s7 =	smul.u32 @!p0 $0xF7A, s2;
	p2 =	seq.s32 @!p0 s5, $0x0  }
0x1f: {  	s9 =	smul.u32 $0xF7A, s1;
	s8 =	simm.s32 @!p0 $0x1BF5;
	p2 =	por !p2, p0  }
0x20: {  	[sflag:s8] =	ssyncset.s32 @!p0 $0xFFFFF086;
	s6 =	sadd.s32 @!p0 s3, s7;
	s7 =	simm.s32 @!p0 $0x108  }
0x21: {  	s3 =	sadd.s32 s3, s9;
	s6 =	sadd.s32 @!p0 $0x88, s6;
	s7 =	simm.s32 @p2 $0x1082  }
0x22: {  	[simem:s7], [sflag:s8] =	dma.local @!p0 [hbm:s6], $0xF7A  }
0x23: {  	s9 =	sor.u32 $0xD0000000, s2;
	s6 =	simm.s32 $0x108;
	_ =	swait.ge @!p0 [sflag:s8], $0x0  }
0x24: {  	s3 =	sadd.s32 $0x88, s3;
	s6 =	simm.s32 @!p1 $0x1082;
	[sflag:s4] =	ssyncset.s32 $0xFFFFF086  }
0x25: {  	[simem:s6], [sflag:s4] =	dma.local [hbm:s3], $0xF7A  }
0x26: {  	[smem:$0x3F90] =	sst s1;
	(tag) =	ssettag s2;
	_ =	strace s9  }
0x27: {  	s1 =	sld [smem:$0x3FA0]  }
0x28: {  	s2 =	sld [smem:$0x3FA1]  }
0x29: {  	s4 =	sld [smem:$0x3FA3]  }
0x2a: {  	p0 =	seq.s32 s5, $0x0;
	s5 =	sld [smem:$0x3FA4]  }
0x2b: {  	s6 =	sld [smem:$0x3FA5]  }
0x2c: {  	s7 =	sld [smem:$0x3FA6]  }
0x2d: {  	s3 =	simm.s32 $0x108;
	s8 =	sld [smem:$0x3FA7]  }
0x2e: {  	s3 =	simm.s32 @!p0 $0x1082;
	s9 =	sld [smem:$0x3FA8]  }
0x2f: {  	lr =	sadd.s32 s0, s3;
	s0 =	sld [smem:$0x3F9F]  }
0x30: {  	s3 =	sld [smem:$0x3FA2]  }
0x31: {  	[smem:$0x3FAB] =	sst s10  }
0x32: {  	s10 =	sld [smem:$0x3FA9];
	_ =	sdelay $0x3  }
0x33: {  	p0 =	seq.s32 s10, $0x1;
	s10 =	sld [smem:$0x3FAB];
	_ =	sdelay $0x3  }
0x34: {  	[smem:$0x3FAB] =	sst s10  }
0x35: {  	s10 =	sld [smem:$0x3FAA];
	_ =	sdelay $0x3  }
0x36: {  	p1 =	seq.s32 s10, $0x1;
	s10 =	sld [smem:$0x3FAB];
	_ =	sdelay $0x3  }
0x37: {  	[smem:$0x3FAB] =	sst s10  }
0x38: {  	s10 =	sld [smem:$0x3FAC]  }
0x39: {  	_ = 	snop;
	(pc) =	sbr.ind lr, $3  }
0x3a: {  	_ = 	snop  }
0x3b: {  	_ = 	snop  }
0x3c: {  	p2 =	seq.s32 s10, $0x1;
	s10 =	sld [smem:$0x3FAB]  }
0x3d: {  	_ =	shalt  }
0x3e: {  	_ =	shalt  }
0x3f: {  	_ =	shalt  }
0x40: {  	_ =	shalt  }
0x41: {  	_ =	shalt  }
0x42: {  	_ =	shalt  }
0x43: {  	_ =	shalt  }
0x44: {  	_ =	shalt  }
0x45: {  	_ =	shalt  }
0x46: {  	_ =	shalt  }
0x47: {  	_ =	shalt  }
0x48: {  	_ =	shalt  }
0x49: {  	_ =	shalt  }
0x4a: {  	_ =	shalt  }
0x4b: {  	_ =	shalt  }
0x4c: {  	_ =	shalt  }
0x4d: {  	_ =	shalt  }
0x4e: {  	_ =	shalt  }
0x4f: {  	_ =	shalt  }
0x50: {  	_ =	shalt  }
0x51: {  	_ =	shalt  }
0x52: {  	_ =	shalt  }
0x53: {  	_ =	shalt  }
0x54: {  	_ =	shalt  }
0x55: {  	_ =	shalt  }
0x56: {  	_ =	shalt  }
0x57: {  	_ =	shalt  }
0x58: {  	_ =	shalt  }
0x59: {  	_ =	shalt  }
0x5a: {  	_ =	shalt  }
0x5b: {  	_ =	shalt  }
0x5c: {  	_ =	shalt  }
0x5d: {  	_ =	shalt  }
0x5e: {  	_ =	shalt  }
0x5f: {  	_ =	shalt  }
0x60: {  	_ =	shalt  }
0x61: {  	_ =	shalt  }
0x62: {  	_ =	shalt  }
0x63: {  	_ =	shalt  }
0x64: {  	_ =	shalt  }
0x65: {  	_ =	shalt  }
0x66: {  	_ =	shalt  }
0x67: {  	_ =	shalt  }
0x68: {  	_ =	shalt  }
0x69: {  	_ =	shalt  }
0x6a: {  	_ =	shalt  }
0x6b: {  	_ =	shalt  }
0x6c: {  	_ =	shalt  }
0x6d: {  	_ =	shalt  }
0x6e: {  	_ =	shalt  }
0x6f: {  	_ =	shalt  }
0x70: {  	_ =	shalt  }
0x71: {  	_ =	shalt  }
0x72: {  	_ =	shalt  }
0x73: {  	_ =	shalt  }
0x74: {  	_ =	shalt  }
0x75: {  	_ =	shalt  }
0x76: {  	_ =	shalt  }
0x77: {  	_ =	shalt  }
0x78: {  	_ =	shalt  }
0x79: {  	_ =	shalt  }
0x7a: {  	_ =	shalt  }
0x7b: {  	_ =	shalt  }
0x7c: {  	_ =	shalt  }
0x7d: {  	_ =	shalt  }
0x7e: {  	_ =	shalt  }
0x7f: {  	_ =	shalt  }
0x80: {  	_ =	shalt  }
0x81: {  	_ =	shalt  }
0x82: {  	_ =	shalt  }
0x83: {  	_ =	shalt  }
0x84: {  	_ =	shalt  }
0x85: {  	_ =	shalt  }
0x86: {  	_ =	shalt  }
0x87: {  	_ =	shalt  }
.Lfunc_end0:
.L_simem_size_0:
called_computation_lowered:
.L_overlay_start_0:
0x88: {  	s2 =	sld [smem:$0x3FD9]  }
0x89: {  	s3 =	sld [smem:$0x3FFE];
	_ =	sdelay $0x1  }
0x8a: {  	s1 =	srdreg.scid  }
0x8b: {  	s0 =	sand.u32 $0x1, s1  }
0x8c: {  	s16 =	sshll.u32 s0, $0xA;
	s2 =	sadd.s32 s3, s2  }
0x8d: {  	s2 =	sadd.s32 s2, s16  }
0x8e: {  	[smem:$0x3FB7] =	sst s2  }
0x8f: {  	_ = 	snop  }
0x90: {  	(tm) =	ssettm $0x1  }
0x91: {  	s17 =	sld [smem:$0x3FFB];
	_ =	sdelay $0x3  }
0x92: {  	_ =	strace s17  }
0x93: {  	s2 =	sld [smem:$0x3FFC];
	_ =	sdelay $0x3  }
0x94: {  	_ =	strace s2  }
0x95: {  	s2 =	sld [smem:$0x3FFD];
	_ =	sdelay $0x3  }
0x96: {  	_ =	strace s2  }
0x97: {  	_ =	strace $0x8FFFFFFF  }
0x98: {  	s18 =	sld [smem:$0x3FDB];
	_ =	sdelay $0x1  }
0x99: {  	s19 =	simm.s32 $_scs_section_size  }
0x9a: {  	s4 =	simm.s32 $_size__tile_overlayer_lowered;
	s5 =	simm.s32 $_tile_overlayer_lowered  }
0x9b: {  	s22 =	simm.s32 $0x1BFF;
	s21 =	sshll.u32 s5, $0x1;
	s2 =	sadd.s32 s19, s18  }
0x9c: {  	s6 =	simm.s32 $0x0;
	s20 =	sshll.u32 s4, $0x1;
	s4 =	sadd.s32 s21, s2  }
0x9d: {  	[timem:s6], [sflag:s22] =	dma.local [hbm:s4], s20  }
0x9e: {  	_ =	swait.ge [sflag:s22], s20  }
0x9f: {  	s3 =	ssub.s32 $0x0, s20;
	[sflag:s22] =	ssyncset.done $0x0  }
0xa0: {  	[sflag:s22] =	ssyncadd.s32 s3;
	_ =	sdelay $0x1  }
0xa1: {  	s23 =	simm.s32 $0x1B8B  }
0xa2: {  	_ =	swait.ge [sflag:s23], $0x1  }
0xa3: {  	[sflag:s23] =	ssyncset.done $0x0  }
0xa4: {  	s25 =	simm.s32 $0x1B8E;
	s24 =	sld [smem:$0x3FFE];
	[sflag:s23] =	ssyncadd.s32 $0xFFFFFFFF  }
0xa5: {  	s26 =	simm.s32 $execute0_lowered;
	[smem:$0x3FD2] =	sst s25  }
0xa6: {  	s4 =	sshll.u32 s26, $0x1;
	_ =	strace $0x80000046;
	[dreg:$0x1] =	wrdreg $0xFFFFFFFF  }
0xa7: {  	s28 =	simm.s32 $_size_execute0_lowered;
	s2 =	sadd.s32 s2, s4;
	[dreg:$0x0] =	wrdreg $0x0  }
0xa8: {  	s4 =	sshll.u32 s28, $0x1;
	[dreg:$0x2] =	wrdreg s2  }
0xa9: {  	[dreg:$0x3] =	wrdreg s4  }
0xaa: {  	[dreg:$0x4] =	wrdreg $0xC0  }
0xab: {  	_ =	task [dreg:s6], $0x5FFFF  }
0xac: {  	[dreg:$0x1] =	wrdreg $0xFFFFFFFF  }
0xad: {  	[dreg:$0x0] =	wrdreg $0x60  }
0xae: {  	[dreg:$0x2] =	wrdreg s24  }
0xaf: {  	[dreg:$0x3] =	wrdreg $0xA8000  }
0xb0: {  	[dreg:$0x4] =	wrdreg $0x9  }
0xb1: {  	_ =	task.clear_ibuf [dreg:s6], $0x5FFFF;
	_ =	strace $0x90000046  }
0xb2: {  	s29 =	simm.s32 $0x9;
	_ =	strace $0x80000048  }
0xb3: {  	_ =	swait.ge [sflag:s29], $0x1  }
0xb4: {  	[sflag:s29] =	ssyncadd.s32 $0xFFFFFFFF  }
0xb5: {  	_ =	strace $0x90000048  }
0xb6: {  	_ =	sfence  }
0xb7: {  	s30 =	sld [smem:$0x0];
	_ =	sdelay $0x2  }
0xb8: {  	s31 =	sshll.u32 s1, $0xD;
	s1 =	sshrl.u32 s1, $0x2  }
0xb9: {  	s3 =	sand.u32 $0x4000, s31;
	s1 =	sadd.s32 s1, s30  }
0xba: {  	s0 =	sor.u32 s3, s0;
	s1 =	sshll.u32 s1, $0x11  }
0xbb: {  	s0 =	sor.u32 s1, s0  }
0xbc: {  	s0 =	sadd.s32 $0x8F2B, s0  }
0xbd: {  	[sflag:s0] =	ssyncadd.remote.s32 $0x1  }
0xbe: {  	_ =	sfence.sel $0xFFFF  }
0xbf: {  	[dreg:$0x0] =	wrdreg $0xFFFFFFFF;
	(pc) =	sbr.abs _section_cstart, $3  }
0xc0: {  	[dreg:$0x1] =	wrdreg $0xFFFFFFFF  }
0xc1: {  	_ =	task.clear_ibuf [dreg:s6], $0x2FFFF;
	_ =	strace $0x9FFFFFFF  }
0xc2: {  	(tm) =	ssettm $0x7FFFFFFF  }
0xc3: {  	_ =	shalt  }
tec
execute0_lowered:
.L_overlay_start_1:
0x0: {  	(tag) =	ssettag $0x1  }
0x1: {  	s5 =	rddreg [dreg:$0x0]  }
0x2: {  	s2 =	rddreg [dreg:$0x1]  }
0x3: {  	s0 =	rddreg [dreg:$0x2]  }
0x4: {  	s3 =	simm.s32 $0x0;
	s1 =	stileid.u32;
	s4 =	srdreg.scid  }
0x5: {  	s15 =	simm.s32 $0x1400;
	s16 =	simm.s32 $0x7D;
	s17 =	simm.s32 $0x2800  }
0x6: {  	s18 =	simm.s32 $0x6800;
	s19 =	simm.s32 $0x1;
	s20 =	simm.s32 $0x2  }
0x7: {  	s21 =	simm.s32 $0x1380;
	s22 =	simm.s32 $0x2700;
	s23 =	simm.s32 $0x2780  }
0x8: {  	s24 =	simm.s32 $0x0;
	[smem:$0x7FF] =	sst s3;
	s6 =	smul.u32 $0x13C00, s1  }
0x9: {  	s7 =	sand.u32 $0x1, s4;
	s4 =	sadd.s32 $0x16800, s5;
	s9 =	sadd.s32 $0x2800, s5  }
0xa: {  	s10 =	sadd.s32 $0xC800, s5;
	s25 =	sshll.u32 s1, $0x1;
	s13 =	smul.u32 $0x4F000, s1  }
0xb: {  	s29 =	sshll.u32 s1, $0x6;
	_ =	strace $0x80000047;
	s8 =	smul.u32 $0x13C000, s7  }
0xc: {  	s12 =	ssub.s32 $0x2, s7;
	s7 =	sor.u32 s7, s25;
	s11 =	sshrl.u32 s6, $0x3  }
0xd: {  	s26 =	sshrl.u32 s12, $0x1;
	s7 =	smul.u32 $0x2800, s7;
	s28 =	sshrl.u32 s13, $0x2  }
0xe: {  	s11 =	sadd.s32 s11, s5;
	s6 =	sadd.s32 s6, s8;
	s12 =	ssub.s32 s12, s26  }
0xf: {  	s13 =	sadd.s32 s28, s2;
	s6 =	sshrl.u32 s6, $0x3;
	s30 =	sshrl.u32 s7, $0x3  }
0x10: {  	s12 =	smax.u32 s12, $0x1;
	s13 =	sshrl.u32 s13, $0x3;
	s14 =	sadd.s32 s6, s5  }
0x11: {  	s5 =	sadd.s32 $0x3DA00, s11;
	s6 =	sor.u32 $0x1C03, s29;
	s31 =	sadd.s32 $0x280, s30  }
0x12: {  	s7 =	sadd.s32 s9, s30;
	s8 =	sadd.s32 s10, s30;
	s9 =	sadd.s32 s9, s31  }
0x13: {  	s10 =	sadd.s32 s10, s31;
	s11 =	sadd.s32 $0x65200, s14;
	s14 =	simm.s32 $0x3  }
.LBB2_1:
0x14: {  	[spmem:s13], [sflag:s6] =	dma.local [hbm:s5], $0x2780  }
0x15: {  	_ =	swait.ge [sflag:s14], $0x2780  }
0x16: {  	[sflag:s14] =	ssyncset.done $0x0  }
0x17: {  	[sflag:s14] =	ssyncadd.s32 $0xFFFFD880  }
0x18: {  	[bflag:$0x0] =	sbarrier.arrive $0xFFFF  }
0x19: {  	[tilespmem:s3], [sflag:$0x3] =	stream.linear.gather [hbm4b:s7+s3], $0x1400, $0x38;
	[tilespmem:$0x1E400] =	vst v63  }
0x1a: {  	_ =	swait.ge [sflag:s14], $0x1400  }
0x1b: {  	[sflag:s14] =	ssyncset.done $0x0  }
0x1c: {  	[sflag:s14] =	ssyncadd.s32 $0xFFFFEC00  }
0x1d: {  	[tilespmem:s15], [sflag:$0x3] =	stream.linear.gather [hbm4b:s8+s3], $0x1400, $0x38;
	[tilespmem:$0x1E400] =	vst v63  }
0x1e: {  	_ =	swait.ge [sflag:s14], $0x1400  }
0x1f: {  	[sflag:s14] =	ssyncset.done $0x0  }
0x20: {  	[sflag:s14] =	ssyncadd.s32 $0xFFFFEC00  }
0x21: {  	[tilespmem:s17], [sflag:$0x1] =	stream.indirect.gather [hbm4b:s4+s16], $0x80, s3, s16, $0xb8;
	[tilespmem:$0x1E400] =	vst v63  }
0x22: {  	s25 =	simm.s32 $0x80  }
0x23: {  	[tilespmem:s18], [sflag:$0x2] =	stream.indirect.gather [hbm4b:s4+s16], $0x80, s25, s16, $0xb8;
	[tilespmem:$0x1E400] =	vst v63  }
0x24: {  	_ =	swait.ge [sflag:s19], $0x3E80  }
0x25: {  	[sflag:s19] =	ssyncset.done $0x0  }
0x26: {  	s29 =	simm.s32 $0x1400;
	[sflag:s19] =	ssyncadd.s32 $0xFFFFC180  }
0x27: {  	[spmem:s2] =	stream.indirect.scatter.add.f32 [tilespmem:s17], [sflag:$0x3], $0x80, s29, s16, $0xb8;
	[tilespmem:$0x1E400] =	vst v63  }
0x28: {  	_ =	swait.ge [sflag:s14], $0x3E80  }
0x29: {  	[sflag:s14] =	ssyncset.done $0x0  }
0x2a: {  	s30 =	simm.s32 $0x100;
	[sflag:s14] =	ssyncadd.s32 $0xFFFFC180  }
0x2b: {  	[tilespmem:s17], [sflag:$0x1] =	stream.indirect.gather [hbm4b:s4+s16], $0x80, s30, s16, $0xb8;
	[tilespmem:$0x1E400] =	vst v63  }
0x2c: {  	_ =	swait.ge [sflag:s20], $0x3E80  }
0x2d: {  	[sflag:s20] =	ssyncset.done $0x0  }
0x2e: {  	s31 =	simm.s32 $0x1480;
	[sflag:s20] =	ssyncadd.s32 $0xFFFFC180  }
0x2f: {  	[spmem:s2] =	stream.indirect.scatter.add.f32 [tilespmem:s18], [sflag:$0x3], $0x80, s31, s16, $0xb8;
	[tilespmem:$0x1E400] =	vst v63  }
0x30: {  	_ =	swait.ge [sflag:s14], $0x3E80  }
0x31: {  	s26 =	simm.s32 $0x800;
	s25 =	simm.s32 $0x100;
	[sflag:s14] =	ssyncset.done $0x0  }
.LBB2_2:
0x32: {  	s28 =	sadd.s32 $0x80, s25  }
0x33: {  	[sflag:s14] =	ssyncadd.s32 $0xFFFFC180;
	s29 =	smov.u32 s26;
	s30 =	sadd.s32 $0x400, s26  }
0x34: {  	[tilespmem:s18], [sflag:$0x2] =	stream.indirect.gather [hbm4b:s4+s16], $0x80, s28, s16, $0xb8;
	[tilespmem:$0x1E400] =	vst v63  }
0x35: {  	p0 =	sne.s32 s26, $0x4800;
	_ =	swait.ge [sflag:s19], $0x3E80  }
0x36: {  	[sflag:s19] =	ssyncset.done $0x0  }
0x37: {  	s26 =	sadd.s32 $0x1400, s25;
	[sflag:s19] =	ssyncadd.s32 $0xFFFFC180  }
0x38: {  	[spmem:s2] =	stream.indirect.scatter.add.f32 [tilespmem:s17], [sflag:$0x3], $0x80, s26, s16, $0xb8;
	[tilespmem:$0x1E400] =	vst v63  }
0x39: {  	_ =	swait.ge [sflag:s14], $0x3E80  }
0x3a: {  	[sflag:s14] =	ssyncset.done $0x0  }
0x3b: {  	s26 =	sadd.s32 $0x100, s25;
	[sflag:s14] =	ssyncadd.s32 $0xFFFFC180  }
0x3c: {  	[tilespmem:s17], [sflag:$0x1] =	stream.indirect.gather [hbm4b:s4+s16], $0x80, s26, s16, $0xb8;
	[tilespmem:$0x1E400] =	vst v63  }
0x3d: {  	_ =	swait.ge [sflag:s20], $0x3E80  }
.Ltmp0:
0x3e: {  	[sflag:s20] =	ssyncset.done $0x0;
	(pc) =	sbr.rel @p0 .LBB2_2-.Ltmp0, $4  }
0x3f: {  	s25 =	sadd.s32 $0x1480, s25;
	[sflag:s20] =	ssyncadd.s32 $0xFFFFC180  }
0x40: {  	[spmem:s2] =	stream.indirect.scatter.add.f32 [tilespmem:s18], [sflag:$0x3], $0x80, s25, s16, $0xb8;
	[tilespmem:$0x1E400] =	vst v63  }
0x41: {  	_ =	swait.ge [sflag:s14], $0x3E80  }
0x42: {  	s26 =	smov.u32 s30;
	s25 =	sshra.s32 s29, $0x2;
	[sflag:s14] =	ssyncset.done $0x0  }
0x43: {  	s26 =	sadd.s32 $0x80, s25;
	[sflag:s14] =	ssyncadd.s32 $0xFFFFC180  }
0x44: {  	[tilespmem:s18], [sflag:$0x2] =	stream.indirect.gather [hbm4b:s4+s16], $0x80, s26, s16, $0xb8;
	[tilespmem:$0x1E400] =	vst v63  }
0x45: {  	_ =	swait.ge [sflag:s19], $0x3E80  }
0x46: {  	[sflag:s19] =	ssyncset.done $0x0  }
0x47: {  	s29 =	sadd.s32 $0x1400, s25;
	[sflag:s19] =	ssyncadd.s32 $0xFFFFC180  }
0x48: {  	[spmem:s2] =	stream.indirect.scatter.add.f32 [tilespmem:s17], [sflag:$0x3], $0x80, s29, s16, $0xb8;
	[tilespmem:$0x1E400] =	vst v63  }
0x49: {  	_ =	swait.ge [sflag:s14], $0x3E80  }
0x4a: {  	[sflag:s14] =	ssyncset.done $0x0  }
0x4b: {  	s30 =	sadd.s32 $0x100, s25;
	[sflag:s14] =	ssyncadd.s32 $0xFFFFC180  }
0x4c: {  	[tilespmem:s17], [sflag:$0x1] =	stream.indirect.gather [hbm4b:s4+s16], $0x80, s30, s16, $0xb8;
	[tilespmem:$0x1E400] =	vst v63  }
0x4d: {  	_ =	swait.ge [sflag:s20], $0x3E80  }
0x4e: {  	[sflag:s20] =	ssyncset.done $0x0  }
0x4f: {  	s31 =	sadd.s32 $0x1480, s25;
	[sflag:s20] =	ssyncadd.s32 $0xFFFFC180  }
0x50: {  	[spmem:s2] =	stream.indirect.scatter.add.f32 [tilespmem:s18], [sflag:$0x3], $0x80, s31, s16, $0xb8;
	[tilespmem:$0x1E400] =	vst v63  }
0x51: {  	_ =	swait.ge [sflag:s14], $0x3E80  }
0x52: {  	[sflag:s14] =	ssyncset.done $0x0  }
0x53: {  	[sflag:s14] =	ssyncadd.s32 $0xFFFFC180  }
0x54: {  	[tilespmem:s18], [sflag:$0x2] =	stream.indirect.gather [hbm4b:s4+s16], $0x80, s21, s16, $0xb8;
	[tilespmem:$0x1E400] =	vst v63  }
0x55: {  	_ =	swait.ge [sflag:s19], $0x3E80  }
0x56: {  	[sflag:s19] =	ssyncset.done $0x0  }
0x57: {  	[sflag:s19] =	ssyncadd.s32 $0xFFFFC180  }
0x58: {  	[spmem:s2] =	stream.indirect.scatter.add.f32 [tilespmem:s17], [sflag:$0x3], $0x80, s22, s16, $0xb8;
	[tilespmem:$0x1E400] =	vst v63  }
0x59: {  	_ =	swait.ge [sflag:s14], $0x3E80  }
0x5a: {  	[sflag:s14] =	ssyncset.done $0x0  }
0x5b: {  	[sflag:s14] =	ssyncadd.s32 $0xFFFFC180  }
0x5c: {  	_ =	swait.ge [sflag:s20], $0x3E80  }
0x5d: {  	[sflag:s20] =	ssyncset.done $0x0  }
0x5e: {  	[sflag:s20] =	ssyncadd.s32 $0xFFFFC180  }
0x5f: {  	[spmem:s2] =	stream.indirect.scatter.add.f32 [tilespmem:s18], [sflag:$0x3], $0x80, s23, s16, $0xb8;
	[tilespmem:$0x1E400] =	vst v63  }
0x60: {  	_ =	swait.ge [sflag:s14], $0x3E80  }
0x61: {  	[sflag:s14] =	ssyncset.done $0x0  }
0x62: {  	s26 =	simm.s32 $0x0;
	[sflag:s14] =	ssyncadd.s32 $0xFFFFC180  }
0x63: {  	[tilespmem:s26], [sflag:$0x3] =	stream.linear.gather [hbm4b:s9+s26], $0x1400, $0x38;
	[tilespmem:$0x1E400] =	vst v63  }
0x64: {  	_ =	swait.ge [sflag:s14], $0x1400  }
0x65: {  	[sflag:s14] =	ssyncset.done $0x0  }
0x66: {  	[sflag:s14] =	ssyncadd.s32 $0xFFFFEC00  }
0x67: {  	[tilespmem:s15], [sflag:$0x3] =	stream.linear.gather [hbm4b:s10+s26], $0x1400, $0x38;
	[tilespmem:$0x1E400] =	vst v63  }
0x68: {  	_ =	swait.ge [sflag:s14], $0x1400  }
0x69: {  	[sflag:s14] =	ssyncset.done $0x0  }
0x6a: {  	[sflag:s14] =	ssyncadd.s32 $0xFFFFEC00  }
0x6b: {  	[tilespmem:s17], [sflag:$0x1] =	stream.indirect.gather [hbm4b:s4+s16], $0x80, s26, s16, $0xb8;
	[tilespmem:$0x1E400] =	vst v63  }
0x6c: {  	s28 =	simm.s32 $0x80  }
0x6d: {  	[tilespmem:s18], [sflag:$0x2] =	stream.indirect.gather [hbm4b:s4+s16], $0x80, s28, s16, $0xb8;
	[tilespmem:$0x1E400] =	vst v63  }
0x6e: {  	_ =	swait.ge [sflag:s19], $0x3E80  }
0x6f: {  	[sflag:s19] =	ssyncset.done $0x0  }
0x70: {  	s29 =	simm.s32 $0x1400;
	[sflag:s19] =	ssyncadd.s32 $0xFFFFC180  }
0x71: {  	[spmem:s2] =	stream.indirect.scatter.add.f32 [tilespmem:s17], [sflag:$0x3], $0x80, s29, s16, $0xb8;
	[tilespmem:$0x1E400] =	vst v63  }
0x72: {  	_ =	swait.ge [sflag:s14], $0x3E80  }
0x73: {  	[sflag:s14] =	ssyncset.done $0x0  }
0x74: {  	s30 =	simm.s32 $0x100;
	[sflag:s14] =	ssyncadd.s32 $0xFFFFC180  }
0x75: {  	[tilespmem:s17], [sflag:$0x1] =	stream.indirect.gather [hbm4b:s4+s16], $0x80, s30, s16, $0xb8;
	[tilespmem:$0x1E400] =	vst v63  }
0x76: {  	_ =	swait.ge [sflag:s20], $0x3E80  }
0x77: {  	[sflag:s20] =	ssyncset.done $0x0  }
0x78: {  	s31 =	simm.s32 $0x1480;
	[sflag:s20] =	ssyncadd.s32 $0xFFFFC180  }
0x79: {  	[spmem:s2] =	stream.indirect.scatter.add.f32 [tilespmem:s18], [sflag:$0x3], $0x80, s31, s16, $0xb8;
	[tilespmem:$0x1E400] =	vst v63  }
0x7a: {  	_ =	swait.ge [sflag:s14], $0x3E80  }
0x7b: {  	s25 =	simm.s32 $0x100;
	s26 =	simm.s32 $0x800;
	[sflag:s14] =	ssyncset.done $0x0  }
.LBB2_4:
0x7c: {  	s28 =	sadd.s32 $0x80, s25  }
0x7d: {  	[sflag:s14] =	ssyncadd.s32 $0xFFFFC180;
	s29 =	smov.u32 s26;
	s30 =	sadd.s32 $0x400, s26  }
0x7e: {  	[tilespmem:s18], [sflag:$0x2] =	stream.indirect.gather [hbm4b:s4+s16], $0x80, s28, s16, $0xb8;
	[tilespmem:$0x1E400] =	vst v63  }
0x7f: {  	p0 =	sne.s32 s26, $0x4800;
	_ =	swait.ge [sflag:s19], $0x3E80  }
0x80: {  	[sflag:s19] =	ssyncset.done $0x0  }
0x81: {  	s26 =	sadd.s32 $0x1400, s25;
	[sflag:s19] =	ssyncadd.s32 $0xFFFFC180  }
0x82: {  	[spmem:s2] =	stream.indirect.scatter.add.f32 [tilespmem:s17], [sflag:$0x3], $0x80, s26, s16, $0xb8;
	[tilespmem:$0x1E400] =	vst v63  }
0x83: {  	_ =	swait.ge [sflag:s14], $0x3E80  }
0x84: {  	[sflag:s14] =	ssyncset.done $0x0  }
0x85: {  	s26 =	sadd.s32 $0x100, s25;
	[sflag:s14] =	ssyncadd.s32 $0xFFFFC180  }
0x86: {  	[tilespmem:s17], [sflag:$0x1] =	stream.indirect.gather [hbm4b:s4+s16], $0x80, s26, s16, $0xb8;
	[tilespmem:$0x1E400] =	vst v63  }
0x87: {  	_ =	swait.ge [sflag:s20], $0x3E80  }
.Ltmp1:
0x88: {  	[sflag:s20] =	ssyncset.done $0x0;
	(pc) =	sbr.rel @p0 .LBB2_4-.Ltmp1, $4  }
0x89: {  	s25 =	sadd.s32 $0x1480, s25;
	[sflag:s20] =	ssyncadd.s32 $0xFFFFC180  }
0x8a: {  	[spmem:s2] =	stream.indirect.scatter.add.f32 [tilespmem:s18], [sflag:$0x3], $0x80, s25, s16, $0xb8;
	[tilespmem:$0x1E400] =	vst v63  }
0x8b: {  	_ =	swait.ge [sflag:s14], $0x3E80  }
0x8c: {  	s26 =	smov.u32 s30;
	s25 =	sshra.s32 s29, $0x2;
	[sflag:s14] =	ssyncset.done $0x0  }
0x8d: {  	s26 =	sadd.s32 $0x80, s25;
	[sflag:s14] =	ssyncadd.s32 $0xFFFFC180  }
0x8e: {  	[tilespmem:s18], [sflag:$0x2] =	stream.indirect.gather [hbm4b:s4+s16], $0x80, s26, s16, $0xb8;
	[tilespmem:$0x1E400] =	vst v63  }
0x8f: {  	_ =	swait.ge [sflag:s19], $0x3E80  }
0x90: {  	[sflag:s19] =	ssyncset.done $0x0  }
0x91: {  	s29 =	sadd.s32 $0x1400, s25;
	[sflag:s19] =	ssyncadd.s32 $0xFFFFC180  }
0x92: {  	[spmem:s2] =	stream.indirect.scatter.add.f32 [tilespmem:s17], [sflag:$0x3], $0x80, s29, s16, $0xb8;
	[tilespmem:$0x1E400] =	vst v63  }
0x93: {  	_ =	swait.ge [sflag:s14], $0x3E80  }
0x94: {  	[sflag:s14] =	ssyncset.done $0x0  }
0x95: {  	s30 =	sadd.s32 $0x100, s25;
	[sflag:s14] =	ssyncadd.s32 $0xFFFFC180  }
0x96: {  	[tilespmem:s17], [sflag:$0x1] =	stream.indirect.gather [hbm4b:s4+s16], $0x80, s30, s16, $0xb8;
	[tilespmem:$0x1E400] =	vst v63  }
0x97: {  	_ =	swait.ge [sflag:s20], $0x3E80  }
0x98: {  	[sflag:s20] =	ssyncset.done $0x0  }
0x99: {  	s31 =	sadd.s32 $0x1480, s25;
	[sflag:s20] =	ssyncadd.s32 $0xFFFFC180  }
0x9a: {  	[spmem:s2] =	stream.indirect.scatter.add.f32 [tilespmem:s18], [sflag:$0x3], $0x80, s31, s16, $0xb8;
	[tilespmem:$0x1E400] =	vst v63  }
0x9b: {  	_ =	swait.ge [sflag:s14], $0x3E80  }
0x9c: {  	[sflag:s14] =	ssyncset.done $0x0  }
0x9d: {  	[sflag:s14] =	ssyncadd.s32 $0xFFFFC180  }
0x9e: {  	[tilespmem:s18], [sflag:$0x2] =	stream.indirect.gather [hbm4b:s4+s16], $0x80, s21, s16, $0xb8;
	[tilespmem:$0x1E400] =	vst v63  }
0x9f: {  	_ =	swait.ge [sflag:s19], $0x3E80  }
0xa0: {  	[sflag:s19] =	ssyncset.done $0x0  }
0xa1: {  	[sflag:s19] =	ssyncadd.s32 $0xFFFFC180  }
0xa2: {  	[spmem:s2] =	stream.indirect.scatter.add.f32 [tilespmem:s17], [sflag:$0x3], $0x80, s22, s16, $0xb8;
	[tilespmem:$0x1E400] =	vst v63  }
0xa3: {  	_ =	swait.ge [sflag:s14], $0x3E80  }
0xa4: {  	[sflag:s14] =	ssyncset.done $0x0  }
0xa5: {  	[sflag:s14] =	ssyncadd.s32 $0xFFFFC180  }
0xa6: {  	_ =	swait.ge [sflag:s20], $0x3E80  }
0xa7: {  	[sflag:s20] =	ssyncset.done $0x0  }
0xa8: {  	[sflag:s20] =	ssyncadd.s32 $0xFFFFC180  }
0xa9: {  	[spmem:s2] =	stream.indirect.scatter.add.f32 [tilespmem:s18], [sflag:$0x3], $0x80, s23, s16, $0xb8;
	[tilespmem:$0x1E400] =	vst v63  }
0xaa: {  	_ =	swait.ge [sflag:s14], $0x3E80  }
0xab: {  	s24 =	sadd.s32 $0x1, s24;
	[sflag:s14] =	ssyncset.done $0x0  }
0xac: {  	p0 =	sne.s32 s24, s12;
	[sflag:s14] =	ssyncadd.s32 $0xFFFFC180  }
.Ltmp2:
0xad: {  	[bflag:$0x0] =	sbarrier.arrive $0xFFFF;
	(pc) =	sbr.rel @p0 .LBB2_1-.Ltmp2, $4  }
0xae: {  	[hbm:s11], [sflag:s6] =	dma.local [spmem:s13], $0x2780  }
0xaf: {  	_ =	swait.ge [sflag:s14], $0x2780  }
0xb0: {  	[sflag:s14] =	ssyncset.done $0x0  }
0xb1: {  	[sflag:s14] =	ssyncadd.s32 $0xFFFFD880  }
0xb2: {  	_ =	sfence.sel $0x180000  }
0xb3: {  	[bflag:$0x0] =	sbarrier.arrive $0xFFFF  }
0xb4: {  	p0 =	sne.s32 s1, $0x0;
	_ =	strace $0x90000047  }
0xb5: {  	s0 =	sadd.s32 @!p0 $0x100000, s0;
	[bflag:$0x2] =	sbarrier.arrive $0xFFFF  }
0xb6: {  	[sflag:s0] =	ssyncadd.tile.s32 @!p0 $0x1;
	_ =	shalt  }
.Lfunc_end2:
_tile_overlayer_lowered:
.L_overlay_start_2:
0xb7: {  	(tag) =	ssettag $0x2  }
0xb8: {  	s0 =	rddreg [dreg:$0x0];
	s2 =	stileid.u32  }
0xb9: {  	s1 =	rddreg [dreg:$0x1];
	p0 =	sne.s32 s2, $0x0  }
0xba: {  	s3 =	rddreg [dreg:$0x2];
	[bflag:$0x3] =	sbarrier.arrive $0xFFFF;
	s2 =	simm.s32 @!p0 $0x1C03  }
0xbb: {  	[timem:s3], [sflag:s2] =	dma.local @!p0 [hbm:s0], s1  }
0xbc: {  	s0 =	simm.s32 @!p0 $0x3  }
0xbd: {  	_ =	swait.ge @!p0 [sflag:s0], s1  }
0xbe: {  	s1 =	ssub.s32 @!p0 $0x0, s1;
	[sflag:s0] =	ssyncset.done @!p0 $0x0  }
0xbf: {  	[sflag:s0] =	ssyncadd.s32 @!p0 s1  }
0xc0: {  	[bflag:$0x3] =	sbarrier.arrive $0xFFFF  }
0xc1: {  	_ =	shalt  }

// kernel: gcn_edge_scatter.7.cloned.1.call-start
scs
__scs_entry_jumppad:
0x0: {  	(pc) =	sbr.rel $0x88, $3  }
0x1: {  	(tag) =	ssettag $0x0;
	lr =	simm.s32 $0x1  }
0x2: {  	[smem:$0x3F90] =	sst lr;
	_ =	strace $0xD0000000  }
0x3: {  	_ = 	snop  }
0x4: {  	_ = 	snop  }
0x5: {  	_ = 	snop  }
0x6: {  	_ = 	snop  }
0x7: {  	_ = 	snop  }
__scs_overlays_trampoline_lowered:
0x8: {  	[smem:$0x3F9F] =	sst s0  }
0x9: {  	[smem:$0x3FA0] =	sst s1  }
0xa: {  	[smem:$0x3FA1] =	sst s2  }
0xb: {  	[smem:$0x3FA2] =	sst s3  }
0xc: {  	[smem:$0x3FA3] =	sst s4  }
0xd: {  	[smem:$0x3FA4] =	sst s5  }
0xe: {  	[smem:$0x3FA5] =	sst s6  }
0xf: {  	[smem:$0x3FA6] =	sst s7  }
0x10: {  	[smem:$0x3FA7] =	sst s8  }
0x11: {  	[smem:$0x3FA8] =	sst s9;
	s0 =	simm.s32 @!p0 $0x0  }
0x12: {  	s1 =	sld [smem:$0x3F8E];
	s0 =	simm.s32 @p0 $0x1  }
0x13: {  	[smem:$0x3FA9] =	sst s0;
	s0 =	simm.s32 @!p1 $0x0  }
0x14: {  	s2 =	sld [smem:$0x3F8D];
	s0 =	simm.s32 @p1 $0x1  }
0x15: {  	[smem:$0x3FAA] =	sst s0;
	s0 =	simm.s32 @!p2 $0x0  }
0x16: {  	s3 =	sld [smem:$0x3FDB];
	s0 =	simm.s32 @p2 $0x1  }
0x17: {  	s4 =	simm.s32 $0x1BF5;
	[smem:$0x3FAC] =	sst s0  }
0x18: {  	s0 =	sld [smem:$0x3F8F];
	_ =	swait.ge [sflag:s4], $0x0  }
0x19: {  	s7 =	sld [smem:$0x3F90]  }
0x1a: {  	s8 =	sadd.s32 $0xFFFFE003, lr  }
0x1b: {  	s9 =	sadd.s32 $0xFFFFFEF7, lr;
	s5 =	simm.s32 $0xFFFFFFFF;
	p2 =	slt.u32 s8, $0xFFFFF086  }
0x1c: {  	p1 =	slt.u32 s9, $0xF7A;
	s5 =	simm.s32 @!p2 $0x0  }
0x1d: {  	s5 =	simm.s32 @p1 $0x1;
	p0 =	seq.s32 s7, s2  }
0x1e: {  	s7 =	smul.u32 @!p0 $0xF7A, s2;
	p2 =	seq.s32 @!p0 s5, $0x0  }
0x1f: {  	s9 =	smul.u32 $0xF7A, s1;
	s8 =	simm.s32 @!p0 $0x1BF5;
	p2 =	por !p2, p0  }
0x20: {  	[sflag:s8] =	ssyncset.s32 @!p0 $0xFFFFF086;
	s6 =	sadd.s32 @!p0 s3, s7;
	s7 =	simm.s32 @!p0 $0x108  }
0x21: {  	s3 =	sadd.s32 s3, s9;
	s6 =	sadd.s32 @!p0 $0x88, s6;
	s7 =	simm.s32 @p2 $0x1082  }
0x22: {  	[simem:s7], [sflag:s8] =	dma.local @!p0 [hbm:s6], $0xF7A  }
0x23: {  	s9 =	sor.u32 $0xD0000000, s2;
	s6 =	simm.s32 $0x108;
	_ =	swait.ge @!p0 [sflag:s8], $0x0  }
0x24: {  	s3 =	sadd.s32 $0x88, s3;
	s6 =	simm.s32 @!p1 $0x1082;
	[sflag:s4] =	ssyncset.s32 $0xFFFFF086  }
0x25: {  	[simem:s6], [sflag:s4] =	dma.local [hbm:s3], $0xF7A  }
0x26: {  	[smem:$0x3F90] =	sst s1;
	(tag) =	ssettag s2;
	_ =	strace s9  }
0x27: {  	s1 =	sld [smem:$0x3FA0]  }
0x28: {  	s2 =	sld [smem:$0x3FA1]  }
0x29: {  	s4 =	sld [smem:$0x3FA3]  }
0x2a: {  	p0 =	seq.s32 s5, $0x0;
	s5 =	sld [smem:$0x3FA4]  }
0x2b: {  	s6 =	sld [smem:$0x3FA5]  }
0x2c: {  	s7 =	sld [smem:$0x3FA6]  }
0x2d: {  	s3 =	simm.s32 $0x108;
	s8 =	sld [smem:$0x3FA7]  }
0x2e: {  	s3 =	simm.s32 @!p0 $0x1082;
	s9 =	sld [smem:$0x3FA8]  }
0x2f: {  	lr =	sadd.s32 s0, s3;
	s0 =	sld [smem:$0x3F9F]  }
0x30: {  	s3 =	sld [smem:$0x3FA2]  }
0x31: {  	[smem:$0x3FAB] =	sst s10  }
0x32: {  	s10 =	sld [smem:$0x3FA9];
	_ =	sdelay $0x3  }
0x33: {  	p0 =	seq.s32 s10, $0x1;
	s10 =	sld [smem:$0x3FAB];
	_ =	sdelay $0x3  }
0x34: {  	[smem:$0x3FAB] =	sst s10  }
0x35: {  	s10 =	sld [smem:$0x3FAA];
	_ =	sdelay $0x3  }
0x36: {  	p1 =	seq.s32 s10, $0x1;
	s10 =	sld [smem:$0x3FAB];
	_ =	sdelay $0x3  }
0x37: {  	[smem:$0x3FAB] =	sst s10  }
0x38: {  	s10 =	sld [smem:$0x3FAC]  }
0x39: {  	_ = 	snop;
	(pc) =	sbr.ind lr, $3  }
0x3a: {  	_ = 	snop  }
0x3b: {  	_ = 	snop  }
0x3c: {  	p2 =	seq.s32 s10, $0x1;
	s10 =	sld [smem:$0x3FAB]  }
0x3d: {  	_ =	shalt  }
0x3e: {  	_ =	shalt  }
0x3f: {  	_ =	shalt  }
0x40: {  	_ =	shalt  }
0x41: {  	_ =	shalt  }
0x42: {  	_ =	shalt  }
0x43: {  	_ =	shalt  }
0x44: {  	_ =	shalt  }
0x45: {  	_ =	shalt  }
0x46: {  	_ =	shalt  }
0x47: {  	_ =	shalt  }
0x48: {  	_ =	shalt  }
0x49: {  	_ =	shalt  }
0x4a: {  	_ =	shalt  }
0x4b: {  	_ =	shalt  }
0x4c: {  	_ =	shalt  }
0x4d: {  	_ =	shalt  }
0x4e: {  	_ =	shalt  }
0x4f: {  	_ =	shalt  }
0x50: {  	_ =	shalt  }
0x51: {  	_ =	shalt  }
0x52: {  	_ =	shalt  }
0x53: {  	_ =	shalt  }
0x54: {  	_ =	shalt  }
0x55: {  	_ =	shalt  }
0x56: {  	_ =	shalt  }
0x57: {  	_ =	shalt  }
0x58: {  	_ =	shalt  }
0x59: {  	_ =	shalt  }
0x5a: {  	_ =	shalt  }
0x5b: {  	_ =	shalt  }
0x5c: {  	_ =	shalt  }
0x5d: {  	_ =	shalt  }
0x5e: {  	_ =	shalt  }
0x5f: {  	_ =	shalt  }
0x60: {  	_ =	shalt  }
0x61: {  	_ =	shalt  }
0x62: {  	_ =	shalt  }
0x63: {  	_ =	shalt  }
0x64: {  	_ =	shalt  }
0x65: {  	_ =	shalt  }
0x66: {  	_ =	shalt  }
0x67: {  	_ =	shalt  }
0x68: {  	_ =	shalt  }
0x69: {  	_ =	shalt  }
0x6a: {  	_ =	shalt  }
0x6b: {  	_ =	shalt  }
0x6c: {  	_ =	shalt  }
0x6d: {  	_ =	shalt  }
0x6e: {  	_ =	shalt  }
0x6f: {  	_ =	shalt  }
0x70: {  	_ =	shalt  }
0x71: {  	_ =	shalt  }
0x72: {  	_ =	shalt  }
0x73: {  	_ =	shalt  }
0x74: {  	_ =	shalt  }
0x75: {  	_ =	shalt  }
0x76: {  	_ =	shalt  }
0x77: {  	_ =	shalt  }
0x78: {  	_ =	shalt  }
0x79: {  	_ =	shalt  }
0x7a: {  	_ =	shalt  }
0x7b: {  	_ =	shalt  }
0x7c: {  	_ =	shalt  }
0x7d: {  	_ =	shalt  }
0x7e: {  	_ =	shalt  }
0x7f: {  	_ =	shalt  }
0x80: {  	_ =	shalt  }
0x81: {  	_ =	shalt  }
0x82: {  	_ =	shalt  }
0x83: {  	_ =	shalt  }
0x84: {  	_ =	shalt  }
0x85: {  	_ =	shalt  }
0x86: {  	_ =	shalt  }
0x87: {  	_ =	shalt  }
.Lfunc_end0:
.L_simem_size_0:
called_computation.1_lowered:
.L_overlay_start_0:
0x88: {  	s2 =	sld [smem:$0x3FD9]  }
0x89: {  	s3 =	sld [smem:$0x3FFE];
	_ =	sdelay $0x1  }
0x8a: {  	s1 =	srdreg.scid  }
0x8b: {  	s0 =	sand.u32 $0x1, s1  }
0x8c: {  	s16 =	sshll.u32 s0, $0xA;
	s2 =	sadd.s32 s3, s2  }
0x8d: {  	s2 =	sadd.s32 s2, s16  }
0x8e: {  	[smem:$0x3FB7] =	sst s2  }
0x8f: {  	_ = 	snop  }
0x90: {  	(tm) =	ssettm $0x1  }
0x91: {  	s17 =	sld [smem:$0x3FFB];
	_ =	sdelay $0x3  }
0x92: {  	_ =	strace s17  }
0x93: {  	s2 =	sld [smem:$0x3FFC];
	_ =	sdelay $0x3  }
0x94: {  	_ =	strace s2  }
0x95: {  	s2 =	sld [smem:$0x3FFD];
	_ =	sdelay $0x3  }
0x96: {  	_ =	strace s2  }
0x97: {  	_ =	strace $0x8FFFFFFF  }
0x98: {  	s18 =	sld [smem:$0x3FDB];
	_ =	sdelay $0x1  }
0x99: {  	s19 =	simm.s32 $_scs_section_size  }
0x9a: {  	s4 =	simm.s32 $_size__tile_overlayer_lowered;
	s5 =	simm.s32 $_tile_overlayer_lowered  }
0x9b: {  	s22 =	simm.s32 $0x1BFF;
	s21 =	sshll.u32 s5, $0x1;
	s2 =	sadd.s32 s19, s18  }
0x9c: {  	s6 =	simm.s32 $0x0;
	s20 =	sshll.u32 s4, $0x1;
	s4 =	sadd.s32 s21, s2  }
0x9d: {  	[timem:s6], [sflag:s22] =	dma.local [hbm:s4], s20  }
0x9e: {  	_ =	swait.ge [sflag:s22], s20  }
0x9f: {  	s3 =	ssub.s32 $0x0, s20;
	[sflag:s22] =	ssyncset.done $0x0  }
0xa0: {  	[sflag:s22] =	ssyncadd.s32 s3;
	_ =	sdelay $0x1  }
0xa1: {  	s23 =	simm.s32 $0x1B8B  }
0xa2: {  	_ =	swait.ge [sflag:s23], $0x1  }
0xa3: {  	[sflag:s23] =	ssyncset.done $0x0  }
0xa4: {  	s25 =	simm.s32 $0x1B8E;
	s24 =	sld [smem:$0x3FFE];
	[sflag:s23] =	ssyncadd.s32 $0xFFFFFFFF  }
0xa5: {  	s26 =	simm.s32 $execute0_lowered;
	[smem:$0x3FD2] =	sst s25  }
0xa6: {  	s4 =	sshll.u32 s26, $0x1;
	_ =	strace $0x80000049;
	[dreg:$0x1] =	wrdreg $0xFFFFFFFF  }
0xa7: {  	s28 =	simm.s32 $_size_execute0_lowered;
	s2 =	sadd.s32 s2, s4;
	[dreg:$0x0] =	wrdreg $0x0  }
0xa8: {  	s4 =	sshll.u32 s28, $0x1;
	[dreg:$0x2] =	wrdreg s2  }
0xa9: {  	[dreg:$0x3] =	wrdreg s4  }
0xaa: {  	[dreg:$0x4] =	wrdreg $0xC0  }
0xab: {  	_ =	task [dreg:s6], $0x5FFFF  }
0xac: {  	[dreg:$0x1] =	wrdreg $0xFFFFFFFF  }
0xad: {  	[dreg:$0x0] =	wrdreg $0x60  }
0xae: {  	[dreg:$0x2] =	wrdreg s24  }
0xaf: {  	[dreg:$0x3] =	wrdreg $0xA8000  }
0xb0: {  	[dreg:$0x4] =	wrdreg $0x9  }
0xb1: {  	_ =	task.clear_ibuf [dreg:s6], $0x5FFFF;
	_ =	strace $0x90000049  }
0xb2: {  	s29 =	simm.s32 $0x9;
	_ =	strace $0x8000004B  }
0xb3: {  	_ =	swait.ge [sflag:s29], $0x1  }
0xb4: {  	[sflag:s29] =	ssyncadd.s32 $0xFFFFFFFF  }
0xb5: {  	_ =	strace $0x9000004B  }
0xb6: {  	_ =	sfence  }
0xb7: {  	s30 =	sld [smem:$0x0];
	_ =	sdelay $0x2  }
0xb8: {  	s31 =	sshll.u32 s1, $0xD;
	s1 =	sshrl.u32 s1, $0x2  }
0xb9: {  	s3 =	sand.u32 $0x4000, s31;
	s1 =	sadd.s32 s1, s30  }
0xba: {  	s0 =	sor.u32 s3, s0;
	s1 =	sshll.u32 s1, $0x11  }
0xbb: {  	s0 =	sor.u32 s1, s0  }
0xbc: {  	s0 =	sadd.s32 $0x8F2B, s0  }
0xbd: {  	[sflag:s0] =	ssyncadd.remote.s32 $0x1  }
0xbe: {  	_ =	sfence.sel $0xFFFF  }
0xbf: {  	[dreg:$0x0] =	wrdreg $0xFFFFFFFF;
	(pc) =	sbr.abs _section_cstart, $3  }
0xc0: {  	[dreg:$0x1] =	wrdreg $0xFFFFFFFF  }
0xc1: {  	_ =	task.clear_ibuf [dreg:s6], $0x2FFFF;
	_ =	strace $0x9FFFFFFF  }
0xc2: {  	(tm) =	ssettm $0x7FFFFFFF  }
0xc3: {  	_ =	shalt  }
tec
execute0_lowered:
.L_overlay_start_1:
0x0: {  	(tag) =	ssettag $0x1  }
0x1: {  	s5 =	rddreg [dreg:$0x0]  }
0x2: {  	s2 =	rddreg [dreg:$0x1]  }
0x3: {  	s0 =	rddreg [dreg:$0x2]  }
0x4: {  	s3 =	simm.s32 $0x0;
	s1 =	stileid.u32;
	s4 =	srdreg.scid  }
0x5: {  	s15 =	simm.s32 $0x1400;
	s16 =	simm.s32 $0x7D;
	s17 =	simm.s32 $0x2800  }
0x6: {  	s18 =	simm.s32 $0x6800;
	s19 =	simm.s32 $0x1;
	s20 =	simm.s32 $0x2  }
0x7: {  	s21 =	simm.s32 $0x1380;
	s22 =	simm.s32 $0x2700;
	s23 =	simm.s32 $0x2780  }
0x8: {  	s24 =	simm.s32 $0x0;
	[smem:$0x7FF] =	sst s3;
	s6 =	smul.u32 $0x13C00, s1  }
0x9: {  	s7 =	sand.u32 $0x1, s4;
	s4 =	sadd.s32 $0x16800, s5;
	s9 =	sadd.s32 $0x2800, s5  }
0xa: {  	s10 =	sadd.s32 $0xC800, s5;
	s25 =	sshll.u32 s1, $0x1;
	s13 =	smul.u32 $0x4F000, s1  }
0xb: {  	s29 =	sshll.u32 s1, $0x6;
	_ =	strace $0x8000004A;
	s8 =	smul.u32 $0x13C000, s7  }
0xc: {  	s12 =	ssub.s32 $0x2, s7;
	s7 =	sor.u32 s7, s25;
	s11 =	sshrl.u32 s6, $0x3  }
0xd: {  	s26 =	sshrl.u32 s12, $0x1;
	s7 =	smul.u32 $0x2800, s7;
	s28 =	sshrl.u32 s13, $0x2  }
0xe: {  	s11 =	sadd.s32 s11, s5;
	s6 =	sadd.s32 s6, s8;
	s12 =	ssub.s32 s12, s26  }
0xf: {  	s13 =	sadd.s32 s28, s2;
	s6 =	sshrl.u32 s6, $0x3;
	s30 =	sshrl.u32 s7, $0x3  }
0x10: {  	s12 =	smax.u32 s12, $0x1;
	s13 =	sshrl.u32 s13, $0x3;
	s14 =	sadd.s32 s6, s5  }
0x11: {  	s5 =	sadd.s32 $0x3DA00, s11;
	s6 =	sor.u32 $0x1C03, s29;
	s31 =	sadd.s32 $0x280, s30  }
0x12: {  	s7 =	sadd.s32 s9, s30;
	s8 =	sadd.s32 s10, s30;
	s9 =	sadd.s32 s9, s31  }
0x13: {  	s10 =	sadd.s32 s10, s31;
	s11 =	sadd.s32 $0x65200, s14;
	s14 =	simm.s32 $0x3  }
.LBB2_1:
0x14: {  	[spmem:s13], [sflag:s6] =	dma.local [hbm:s5], $0x2780  }
0x15: {  	_ =	swait.ge [sflag:s14], $0x2780  }
0x16: {  	[sflag:s14] =	ssyncset.done $0x0  }
0x17: {  	[sflag:s14] =	ssyncadd.s32 $0xFFFFD880  }
0x18: {  	[bflag:$0x0] =	sbarrier.arrive $0xFFFF  }
0x19: {  	[tilespmem:s3], [sflag:$0x3] =	stream.linear.gather [hbm4b:s7+s3], $0x1400, $0x38;
	[tilespmem:$0x1E400] =	vst v63  }
0x1a: {  	_ =	swait.ge [sflag:s14], $0x1400  }
0x1b: {  	[sflag:s14] =	ssyncset.done $0x0  }
0x1c: {  	[sflag:s14] =	ssyncadd.s32 $0xFFFFEC00  }
0x1d: {  	[tilespmem:s15], [sflag:$0x3] =	stream.linear.gather [hbm4b:s8+s3], $0x1400, $0x38;
	[tilespmem:$0x1E400] =	vst v63  }
0x1e: {  	_ =	swait.ge [sflag:s14], $0x1400  }
0x1f: {  	[sflag:s14] =	ssyncset.done $0x0  }
0x20: {  	[sflag:s14] =	ssyncadd.s32 $0xFFFFEC00  }
0x21: {  	[tilespmem:s17], [sflag:$0x1] =	stream.indirect.gather [hbm4b:s4+s16], $0x80, s3, s16, $0xb8;
	[tilespmem:$0x1E400] =	vst v63  }
0x22: {  	s25 =	simm.s32 $0x80  }
0x23: {  	[tilespmem:s18], [sflag:$0x2] =	stream.indirect.gather [hbm4b:s4+s16], $0x80, s25, s16, $0xb8;
	[tilespmem:$0x1E400] =	vst v63  }
0x24: {  	_ =	swait.ge [sflag:s19], $0x3E80  }
0x25: {  	[sflag:s19] =	ssyncset.done $0x0  }
0x26: {  	s29 =	simm.s32 $0x1400;
	[sflag:s19] =	ssyncadd.s32 $0xFFFFC180  }
0x27: {  	[spmem:s2] =	stream.indirect.scatter.add.f32 [tilespmem:s17], [sflag:$0x3], $0x80, s29, s16, $0xb8;
	[tilespmem:$0x1E400] =	vst v63  }
0x28: {  	_ =	swait.ge [sflag:s14], $0x3E80  }
0x29: {  	[sflag:s14] =	ssyncset.done $0x0  }
0x2a: {  	s30 =	simm.s32 $0x100;
	[sflag:s14] =	ssyncadd.s32 $0xFFFFC180  }
0x2b: {  	[tilespmem:s17], [sflag:$0x1] =	stream.indirect.gather [hbm4b:s4+s16], $0x80, s30, s16, $0xb8;
	[tilespmem:$0x1E400] =	vst v63  }
0x2c: {  	_ =	swait.ge [sflag:s20], $0x3E80  }
0x2d: {  	[sflag:s20] =	ssyncset.done $0x0  }
0x2e: {  	s31 =	simm.s32 $0x1480;
	[sflag:s20] =	ssyncadd.s32 $0xFFFFC180  }
0x2f: {  	[spmem:s2] =	stream.indirect.scatter.add.f32 [tilespmem:s18], [sflag:$0x3], $0x80, s31, s16, $0xb8;
	[tilespmem:$0x1E400] =	vst v63  }
0x30: {  	_ =	swait.ge [sflag:s14], $0x3E80  }
0x31: {  	s26 =	simm.s32 $0x800;
	s25 =	simm.s32 $0x100;
	[sflag:s14] =	ssyncset.done $0x0  }
.LBB2_2:
0x32: {  	s28 =	sadd.s32 $0x80, s25  }
0x33: {  	[sflag:s14] =	ssyncadd.s32 $0xFFFFC180;
	s29 =	smov.u32 s26;
	s30 =	sadd.s32 $0x400, s26  }
0x34: {  	[tilespmem:s18], [sflag:$0x2] =	stream.indirect.gather [hbm4b:s4+s16], $0x80, s28, s16, $0xb8;
	[tilespmem:$0x1E400] =	vst v63  }
0x35: {  	p0 =	sne.s32 s26, $0x4800;
	_ =	swait.ge [sflag:s19], $0x3E80  }
0x36: {  	[sflag:s19] =	ssyncset.done $0x0  }
0x37: {  	s26 =	sadd.s32 $0x1400, s25;
	[sflag:s19] =	ssyncadd.s32 $0xFFFFC180  }
0x38: {  	[spmem:s2] =	stream.indirect.scatter.add.f32 [tilespmem:s17], [sflag:$0x3], $0x80, s26, s16, $0xb8;
	[tilespmem:$0x1E400] =	vst v63  }
0x39: {  	_ =	swait.ge [sflag:s14], $0x3E80  }
0x3a: {  	[sflag:s14] =	ssyncset.done $0x0  }
0x3b: {  	s26 =	sadd.s32 $0x100, s25;
	[sflag:s14] =	ssyncadd.s32 $0xFFFFC180  }
0x3c: {  	[tilespmem:s17], [sflag:$0x1] =	stream.indirect.gather [hbm4b:s4+s16], $0x80, s26, s16, $0xb8;
	[tilespmem:$0x1E400] =	vst v63  }
0x3d: {  	_ =	swait.ge [sflag:s20], $0x3E80  }
.Ltmp0:
0x3e: {  	[sflag:s20] =	ssyncset.done $0x0;
	(pc) =	sbr.rel @p0 .LBB2_2-.Ltmp0, $4  }
0x3f: {  	s25 =	sadd.s32 $0x1480, s25;
	[sflag:s20] =	ssyncadd.s32 $0xFFFFC180  }
0x40: {  	[spmem:s2] =	stream.indirect.scatter.add.f32 [tilespmem:s18], [sflag:$0x3], $0x80, s25, s16, $0xb8;
	[tilespmem:$0x1E400] =	vst v63  }
0x41: {  	_ =	swait.ge [sflag:s14], $0x3E80  }
0x42: {  	s26 =	smov.u32 s30;
	s25 =	sshra.s32 s29, $0x2;
	[sflag:s14] =	ssyncset.done $0x0  }
0x43: {  	s26 =	sadd.s32 $0x80, s25;
	[sflag:s14] =	ssyncadd.s32 $0xFFFFC180  }
0x44: {  	[tilespmem:s18], [sflag:$0x2] =	stream.indirect.gather [hbm4b:s4+s16], $0x80, s26, s16, $0xb8;
	[tilespmem:$0x1E400] =	vst v63  }
0x45: {  	_ =	swait.ge [sflag:s19], $0x3E80  }
0x46: {  	[sflag:s19] =	ssyncset.done $0x0  }
0x47: {  	s29 =	sadd.s32 $0x1400, s25;
	[sflag:s19] =	ssyncadd.s32 $0xFFFFC180  }
0x48: {  	[spmem:s2] =	stream.indirect.scatter.add.f32 [tilespmem:s17], [sflag:$0x3], $0x80, s29, s16, $0xb8;
	[tilespmem:$0x1E400] =	vst v63  }
0x49: {  	_ =	swait.ge [sflag:s14], $0x3E80  }
0x4a: {  	[sflag:s14] =	ssyncset.done $0x0  }
0x4b: {  	s30 =	sadd.s32 $0x100, s25;
	[sflag:s14] =	ssyncadd.s32 $0xFFFFC180  }
0x4c: {  	[tilespmem:s17], [sflag:$0x1] =	stream.indirect.gather [hbm4b:s4+s16], $0x80, s30, s16, $0xb8;
	[tilespmem:$0x1E400] =	vst v63  }
0x4d: {  	_ =	swait.ge [sflag:s20], $0x3E80  }
0x4e: {  	[sflag:s20] =	ssyncset.done $0x0  }
0x4f: {  	s31 =	sadd.s32 $0x1480, s25;
	[sflag:s20] =	ssyncadd.s32 $0xFFFFC180  }
0x50: {  	[spmem:s2] =	stream.indirect.scatter.add.f32 [tilespmem:s18], [sflag:$0x3], $0x80, s31, s16, $0xb8;
	[tilespmem:$0x1E400] =	vst v63  }
0x51: {  	_ =	swait.ge [sflag:s14], $0x3E80  }
0x52: {  	[sflag:s14] =	ssyncset.done $0x0  }
0x53: {  	[sflag:s14] =	ssyncadd.s32 $0xFFFFC180  }
0x54: {  	[tilespmem:s18], [sflag:$0x2] =	stream.indirect.gather [hbm4b:s4+s16], $0x80, s21, s16, $0xb8;
	[tilespmem:$0x1E400] =	vst v63  }
0x55: {  	_ =	swait.ge [sflag:s19], $0x3E80  }
0x56: {  	[sflag:s19] =	ssyncset.done $0x0  }
0x57: {  	[sflag:s19] =	ssyncadd.s32 $0xFFFFC180  }
0x58: {  	[spmem:s2] =	stream.indirect.scatter.add.f32 [tilespmem:s17], [sflag:$0x3], $0x80, s22, s16, $0xb8;
	[tilespmem:$0x1E400] =	vst v63  }
0x59: {  	_ =	swait.ge [sflag:s14], $0x3E80  }
0x5a: {  	[sflag:s14] =	ssyncset.done $0x0  }
0x5b: {  	[sflag:s14] =	ssyncadd.s32 $0xFFFFC180  }
0x5c: {  	_ =	swait.ge [sflag:s20], $0x3E80  }
0x5d: {  	[sflag:s20] =	ssyncset.done $0x0  }
0x5e: {  	[sflag:s20] =	ssyncadd.s32 $0xFFFFC180  }
0x5f: {  	[spmem:s2] =	stream.indirect.scatter.add.f32 [tilespmem:s18], [sflag:$0x3], $0x80, s23, s16, $0xb8;
	[tilespmem:$0x1E400] =	vst v63  }
0x60: {  	_ =	swait.ge [sflag:s14], $0x3E80  }
0x61: {  	[sflag:s14] =	ssyncset.done $0x0  }
0x62: {  	s26 =	simm.s32 $0x0;
	[sflag:s14] =	ssyncadd.s32 $0xFFFFC180  }
0x63: {  	[tilespmem:s26], [sflag:$0x3] =	stream.linear.gather [hbm4b:s9+s26], $0x1400, $0x38;
	[tilespmem:$0x1E400] =	vst v63  }
0x64: {  	_ =	swait.ge [sflag:s14], $0x1400  }
0x65: {  	[sflag:s14] =	ssyncset.done $0x0  }
0x66: {  	[sflag:s14] =	ssyncadd.s32 $0xFFFFEC00  }
0x67: {  	[tilespmem:s15], [sflag:$0x3] =	stream.linear.gather [hbm4b:s10+s26], $0x1400, $0x38;
	[tilespmem:$0x1E400] =	vst v63  }
0x68: {  	_ =	swait.ge [sflag:s14], $0x1400  }
0x69: {  	[sflag:s14] =	ssyncset.done $0x0  }
0x6a: {  	[sflag:s14] =	ssyncadd.s32 $0xFFFFEC00  }
0x6b: {  	[tilespmem:s17], [sflag:$0x1] =	stream.indirect.gather [hbm4b:s4+s16], $0x80, s26, s16, $0xb8;
	[tilespmem:$0x1E400] =	vst v63  }
0x6c: {  	s28 =	simm.s32 $0x80  }
0x6d: {  	[tilespmem:s18], [sflag:$0x2] =	stream.indirect.gather [hbm4b:s4+s16], $0x80, s28, s16, $0xb8;
	[tilespmem:$0x1E400] =	vst v63  }
0x6e: {  	_ =	swait.ge [sflag:s19], $0x3E80  }
0x6f: {  	[sflag:s19] =	ssyncset.done $0x0  }
0x70: {  	s29 =	simm.s32 $0x1400;
	[sflag:s19] =	ssyncadd.s32 $0xFFFFC180  }
0x71: {  	[spmem:s2] =	stream.indirect.scatter.add.f32 [tilespmem:s17], [sflag:$0x3], $0x80, s29, s16, $0xb8;
	[tilespmem:$0x1E400] =	vst v63  }
0x72: {  	_ =	swait.ge [sflag:s14], $0x3E80  }
0x73: {  	[sflag:s14] =	ssyncset.done $0x0  }
0x74: {  	s30 =	simm.s32 $0x100;
	[sflag:s14] =	ssyncadd.s32 $0xFFFFC180  }
0x75: {  	[tilespmem:s17], [sflag:$0x1] =	stream.indirect.gather [hbm4b:s4+s16], $0x80, s30, s16, $0xb8;
	[tilespmem:$0x1E400] =	vst v63  }
0x76: {  	_ =	swait.ge [sflag:s20], $0x3E80  }
0x77: {  	[sflag:s20] =	ssyncset.done $0x0  }
0x78: {  	s31 =	simm.s32 $0x1480;
	[sflag:s20] =	ssyncadd.s32 $0xFFFFC180  }
0x79: {  	[spmem:s2] =	stream.indirect.scatter.add.f32 [tilespmem:s18], [sflag:$0x3], $0x80, s31, s16, $0xb8;
	[tilespmem:$0x1E400] =	vst v63  }
0x7a: {  	_ =	swait.ge [sflag:s14], $0x3E80  }
0x7b: {  	s25 =	simm.s32 $0x100;
	s26 =	simm.s32 $0x800;
	[sflag:s14] =	ssyncset.done $0x0  }
.LBB2_4:
0x7c: {  	s28 =	sadd.s32 $0x80, s25  }
0x7d: {  	[sflag:s14] =	ssyncadd.s32 $0xFFFFC180;
	s29 =	smov.u32 s26;
	s30 =	sadd.s32 $0x400, s26  }
0x7e: {  	[tilespmem:s18], [sflag:$0x2] =	stream.indirect.gather [hbm4b:s4+s16], $0x80, s28, s16, $0xb8;
	[tilespmem:$0x1E400] =	vst v63  }
0x7f: {  	p0 =	sne.s32 s26, $0x4800;
	_ =	swait.ge [sflag:s19], $0x3E80  }
0x80: {  	[sflag:s19] =	ssyncset.done $0x0  }
0x81: {  	s26 =	sadd.s32 $0x1400, s25;
	[sflag:s19] =	ssyncadd.s32 $0xFFFFC180  }
0x82: {  	[spmem:s2] =	stream.indirect.scatter.add.f32 [tilespmem:s17], [sflag:$0x3], $0x80, s26, s16, $0xb8;
	[tilespmem:$0x1E400] =	vst v63  }
0x83: {  	_ =	swait.ge [sflag:s14], $0x3E80  }
0x84: {  	[sflag:s14] =	ssyncset.done $0x0  }
0x85: {  	s26 =	sadd.s32 $0x100, s25;
	[sflag:s14] =	ssyncadd.s32 $0xFFFFC180  }
0x86: {  	[tilespmem:s17], [sflag:$0x1] =	stream.indirect.gather [hbm4b:s4+s16], $0x80, s26, s16, $0xb8;
	[tilespmem:$0x1E400] =	vst v63  }
0x87: {  	_ =	swait.ge [sflag:s20], $0x3E80  }
.Ltmp1:
0x88: {  	[sflag:s20] =	ssyncset.done $0x0;
	(pc) =	sbr.rel @p0 .LBB2_4-.Ltmp1, $4  }
0x89: {  	s25 =	sadd.s32 $0x1480, s25;
	[sflag:s20] =	ssyncadd.s32 $0xFFFFC180  }
0x8a: {  	[spmem:s2] =	stream.indirect.scatter.add.f32 [tilespmem:s18], [sflag:$0x3], $0x80, s25, s16, $0xb8;
	[tilespmem:$0x1E400] =	vst v63  }
0x8b: {  	_ =	swait.ge [sflag:s14], $0x3E80  }
0x8c: {  	s26 =	smov.u32 s30;
	s25 =	sshra.s32 s29, $0x2;
	[sflag:s14] =	ssyncset.done $0x0  }
0x8d: {  	s26 =	sadd.s32 $0x80, s25;
	[sflag:s14] =	ssyncadd.s32 $0xFFFFC180  }
0x8e: {  	[tilespmem:s18], [sflag:$0x2] =	stream.indirect.gather [hbm4b:s4+s16], $0x80, s26, s16, $0xb8;
	[tilespmem:$0x1E400] =	vst v63  }
0x8f: {  	_ =	swait.ge [sflag:s19], $0x3E80  }
0x90: {  	[sflag:s19] =	ssyncset.done $0x0  }
0x91: {  	s29 =	sadd.s32 $0x1400, s25;
	[sflag:s19] =	ssyncadd.s32 $0xFFFFC180  }
0x92: {  	[spmem:s2] =	stream.indirect.scatter.add.f32 [tilespmem:s17], [sflag:$0x3], $0x80, s29, s16, $0xb8;
	[tilespmem:$0x1E400] =	vst v63  }
0x93: {  	_ =	swait.ge [sflag:s14], $0x3E80  }
0x94: {  	[sflag:s14] =	ssyncset.done $0x0  }
0x95: {  	s30 =	sadd.s32 $0x100, s25;
	[sflag:s14] =	ssyncadd.s32 $0xFFFFC180  }
0x96: {  	[tilespmem:s17], [sflag:$0x1] =	stream.indirect.gather [hbm4b:s4+s16], $0x80, s30, s16, $0xb8;
	[tilespmem:$0x1E400] =	vst v63  }
0x97: {  	_ =	swait.ge [sflag:s20], $0x3E80  }
0x98: {  	[sflag:s20] =	ssyncset.done $0x0  }
0x99: {  	s31 =	sadd.s32 $0x1480, s25;
	[sflag:s20] =	ssyncadd.s32 $0xFFFFC180  }
0x9a: {  	[spmem:s2] =	stream.indirect.scatter.add.f32 [tilespmem:s18], [sflag:$0x3], $0x80, s31, s16, $0xb8;
	[tilespmem:$0x1E400] =	vst v63  }
0x9b: {  	_ =	swait.ge [sflag:s14], $0x3E80  }
0x9c: {  	[sflag:s14] =	ssyncset.done $0x0  }
0x9d: {  	[sflag:s14] =	ssyncadd.s32 $0xFFFFC180  }
0x9e: {  	[tilespmem:s18], [sflag:$0x2] =	stream.indirect.gather [hbm4b:s4+s16], $0x80, s21, s16, $0xb8;
	[tilespmem:$0x1E400] =	vst v63  }
0x9f: {  	_ =	swait.ge [sflag:s19], $0x3E80  }
0xa0: {  	[sflag:s19] =	ssyncset.done $0x0  }
0xa1: {  	[sflag:s19] =	ssyncadd.s32 $0xFFFFC180  }
0xa2: {  	[spmem:s2] =	stream.indirect.scatter.add.f32 [tilespmem:s17], [sflag:$0x3], $0x80, s22, s16, $0xb8;
	[tilespmem:$0x1E400] =	vst v63  }
0xa3: {  	_ =	swait.ge [sflag:s14], $0x3E80  }
0xa4: {  	[sflag:s14] =	ssyncset.done $0x0  }
0xa5: {  	[sflag:s14] =	ssyncadd.s32 $0xFFFFC180  }
0xa6: {  	_ =	swait.ge [sflag:s20], $0x3E80  }
0xa7: {  	[sflag:s20] =	ssyncset.done $0x0  }
0xa8: {  	[sflag:s20] =	ssyncadd.s32 $0xFFFFC180  }
0xa9: {  	[spmem:s2] =	stream.indirect.scatter.add.f32 [tilespmem:s18], [sflag:$0x3], $0x80, s23, s16, $0xb8;
	[tilespmem:$0x1E400] =	vst v63  }
0xaa: {  	_ =	swait.ge [sflag:s14], $0x3E80  }
0xab: {  	s24 =	sadd.s32 $0x1, s24;
	[sflag:s14] =	ssyncset.done $0x0  }
0xac: {  	p0 =	sne.s32 s24, s12;
	[sflag:s14] =	ssyncadd.s32 $0xFFFFC180  }
.Ltmp2:
0xad: {  	[bflag:$0x0] =	sbarrier.arrive $0xFFFF;
	(pc) =	sbr.rel @p0 .LBB2_1-.Ltmp2, $4  }
0xae: {  	[hbm:s11], [sflag:s6] =	dma.local [spmem:s13], $0x2780  }
0xaf: {  	_ =	swait.ge [sflag:s14], $0x2780  }
0xb0: {  	[sflag:s14] =	ssyncset.done $0x0  }
0xb1: {  	[sflag:s14] =	ssyncadd.s32 $0xFFFFD880  }
0xb2: {  	_ =	sfence.sel $0x180000  }
0xb3: {  	[bflag:$0x0] =	sbarrier.arrive $0xFFFF  }
0xb4: {  	p0 =	sne.s32 s1, $0x0;
	_ =	strace $0x9000004A  }
0xb5: {  	s0 =	sadd.s32 @!p0 $0x100000, s0;
	[bflag:$0x2] =	sbarrier.arrive $0xFFFF  }
0xb6: {  	[sflag:s0] =	ssyncadd.tile.s32 @!p0 $0x1;
	_ =	shalt  }
.Lfunc_end2:
_tile_overlayer_lowered:
.L_overlay_start_2:
0xb7: {  	(tag) =	ssettag $0x2  }
0xb8: {  	s0 =	rddreg [dreg:$0x0];
	s2 =	stileid.u32  }
0xb9: {  	s1 =	rddreg [dreg:$0x1];
	p0 =	sne.s32 s2, $0x0  }
0xba: {  	s3 =	rddreg [dreg:$0x2];
	[bflag:$0x3] =	sbarrier.arrive $0xFFFF;
	s2 =	simm.s32 @!p0 $0x1C03  }
0xbb: {  	[timem:s3], [sflag:s2] =	dma.local @!p0 [hbm:s0], s1  }
0xbc: {  	s0 =	simm.s32 @!p0 $0x3  }
0xbd: {  	_ =	swait.ge @!p0 [sflag:s0], s1  }
0xbe: {  	s1 =	ssub.s32 @!p0 $0x0, s1;
	[sflag:s0] =	ssyncset.done @!p0 $0x0  }
0xbf: {  	[sflag:s0] =	ssyncadd.s32 @!p0 s1  }
0xc0: {  	[bflag:$0x3] =	sbarrier.arrive $0xFFFF  }
0xc1: {  	_ =	shalt  }

</sc_bundles>
